<compile_context>
chip_gen: v7x
topology: tpu7x:2x2x1
jax: 0.10.2.dev20260603
libtpu: 0.0.44.dev20260713+nightly
codegen_flags: <defaults>
</compile_context>

<pallas_src>
import functools

import jax
import jax.numpy as jnp
from jax import lax
from jax.experimental import pallas as pl
from jax.experimental.pallas import tpu as pltpu
from jax.experimental.pallas import tpu_sc as plsc

NC = 2
NS = 16
L = 16
NW = NC * NS

B = 16384
D = 32
V = 1000000
BPW = B // NW
SE = 4
NSUB = BPW // SE
HT = D // 4

_mesh = plsc.VectorSubcoreMesh(core_axis_name="c", subcore_axis_name="s")


@functools.partial(
    pl.kernel,
    out_type=jax.ShapeDtypeStruct((B,), jnp.float32),
    mesh=_mesh,
    compiler_params=pltpu.CompilerParams(needs_layout_passes=False,
                                         use_tc_tiling_on_sc=True),
    scratch_types=[
        pltpu.VMEM((BPW + L,), jnp.int32),
        pltpu.VMEM((BPW + L,), jnp.int32),
        pltpu.VMEM((4, SE, 4, 8, 128), jnp.float32),
        pltpu.VMEM((3, SE, 4, 8, 128), jnp.float32),
        pltpu.VMEM((L,), jnp.float32),
        pltpu.VMEM((BPW + L,), jnp.float32),
        pltpu.SemaphoreType.DMA,
        pltpu.SemaphoreType.DMA,
        pltpu.SemaphoreType.DMA,
        pltpu.SemaphoreType.DMA,
        pltpu.SemaphoreType.DMA,
        pltpu.SemaphoreType.DMA,
        pltpu.SemaphoreType.DMA,
    ],
)
def _mf_sc_kernel(uidx_hbm, iidx_hbm, utab3_hbm, itab3_hbm, out_hbm,
                  uidx_v, iidx_v, ublk_v, vblk_v, fold_v, out_v,
                  usem0, usem1, usem2, usem3, vsem0, vsem1, vsem2):
    sid = lax.axis_index("s")
    cid = lax.axis_index("c")
    wid = sid * NC + cid
    base = wid * BPW

    pltpu.sync_copy(uidx_hbm.at[pl.ds(base, BPW)], uidx_v.at[pl.ds(0, BPW)])
    pltpu.sync_copy(iidx_hbm.at[pl.ds(base, BPW)], iidx_v.at[pl.ds(0, BPW)])

    lane = lax.iota(jnp.int32, L)
    lo4 = lax.bitwise_and(lane, 3)
    quad = lax.shift_right_logical(lane, 2)
    outmask = quad == 0

    def issue(tab_hbm, idx_ref, blk, s, par, sem):
        def body(e, c):
            vec = idx_ref[pl.ds(s * SE + e, L)]
            o0 = pl.multiple_of(lax.bitwise_and(vec[0], jnp.int32(~127)), 128)
            pltpu.async_copy(tab_hbm.at[:, :, pl.ds(o0, 128)],
                             blk.at[par, e], sem)
            return c
        lax.fori_loop(0, SE, body, 0)

    def drain(tab_hbm, blk, sem):
        tmpl = pltpu.make_async_copy(tab_hbm.at[:, :, pl.ds(0, 128)],
                                     blk.at[0, 0], sem)
        for _ in range(SE):
            tmpl.wait()

    issue(utab3_hbm, uidx_v, ublk_v, 0, 0, usem0)
    issue(itab3_hbm, iidx_v, vblk_v, 0, 0, vsem0)
    issue(utab3_hbm, uidx_v, ublk_v, 1, 1, usem1)
    issue(itab3_hbm, iidx_v, vblk_v, 1, 1, vsem1)
    issue(utab3_hbm, uidx_v, ublk_v, 2, 2, usem2)
    issue(itab3_hbm, iidx_v, vblk_v, 2, 2, vsem2)
    issue(utab3_hbm, uidx_v, ublk_v, 3, 3, usem3)

    def sub_body(s, carry):
        e0 = s * SE
        paru = lax.bitwise_and(s, 3)
        parv_i = lax.rem(s, 3)
        parvu = jnp.zeros((L,), jnp.int32) + paru
        parvv = jnp.zeros((L,), jnp.int32) + parv_i

        @pl.when(paru == 0)
        def _():
            drain(utab3_hbm, ublk_v, usem0)

        @pl.when(paru == 1)
        def _():
            drain(utab3_hbm, ublk_v, usem1)

        @pl.when(paru == 2)
        def _():
            drain(utab3_hbm, ublk_v, usem2)

        @pl.when(paru == 3)
        def _():
            drain(utab3_hbm, ublk_v, usem3)

        @pl.when(parv_i == 0)
        def _():
            drain(itab3_hbm, vblk_v, vsem0)

        @pl.when(parv_i == 1)
        def _():
            drain(itab3_hbm, vblk_v, vsem1)

        @pl.when(parv_i == 2)
        def _():
            drain(itab3_hbm, vblk_v, vsem2)

        up = lax.bitwise_and(plsc.load_gather(uidx_v, [e0 + lo4]), jnp.int32(127))
        ip = lax.bitwise_and(plsc.load_gather(iidx_v, [e0 + lo4]), jnp.int32(127))
        acc = jnp.zeros((L,), jnp.float32)
        for t in range(HT):
            j0 = 4 * t
            fb = jnp.full((L,), j0 // 8, jnp.int32)
            fr = jnp.full((L,), j0 % 8, jnp.int32) + quad
            uj = plsc.load_gather(ublk_v, [parvu, lo4, fb, fr, up])
            vj = plsc.load_gather(vblk_v, [parvv, lo4, fb, fr, ip])
            acc = acc + uj * vj

        fold_v[...] = acc
        acc2 = acc + plsc.load_gather(fold_v, [lax.bitwise_xor(lane, 8)])
        fold_v[...] = acc2
        tot = acc2 + plsc.load_gather(fold_v, [lax.bitwise_xor(lane, 4)])
        plsc.store_compressed(out_v.at[pl.ds(e0, L)], tot, mask=outmask)

        @pl.when((s + 4 < NSUB) & (paru == 0))
        def _():
            issue(utab3_hbm, uidx_v, ublk_v, s + 4, 0, usem0)

        @pl.when((s + 4 < NSUB) & (paru == 1))
        def _():
            issue(utab3_hbm, uidx_v, ublk_v, s + 4, 1, usem1)

        @pl.when((s + 4 < NSUB) & (paru == 2))
        def _():
            issue(utab3_hbm, uidx_v, ublk_v, s + 4, 2, usem2)

        @pl.when((s + 4 < NSUB) & (paru == 3))
        def _():
            issue(utab3_hbm, uidx_v, ublk_v, s + 4, 3, usem3)

        @pl.when((s + 3 < NSUB) & (parv_i == 0))
        def _():
            issue(itab3_hbm, iidx_v, vblk_v, s + 3, 0, vsem0)

        @pl.when((s + 3 < NSUB) & (parv_i == 1))
        def _():
            issue(itab3_hbm, iidx_v, vblk_v, s + 3, 1, vsem1)

        @pl.when((s + 3 < NSUB) & (parv_i == 2))
        def _():
            issue(itab3_hbm, iidx_v, vblk_v, s + 3, 2, vsem2)
        return carry

    lax.fori_loop(0, NSUB, sub_body, 0)
    pltpu.sync_copy(out_v.at[pl.ds(0, BPW)], out_hbm.at[pl.ds(base, BPW)])


def kernel(user_idx, item_idx, user_table, item_table):
    ut3 = user_table.T.reshape(4, 8, V)
    it3 = item_table.T.reshape(4, 8, V)
    return _mf_sc_kernel(user_idx.astype(jnp.int32), item_idx.astype(jnp.int32),
                         ut3, it3)

# --- scband reference (transcript-rebuilt; emitter-appended) ---
"""Pipeline reference for scband-mf-14791867367849 (READ-ONLY COPY).

The authoritative reference and input builder live on the scoring server;
editing this copy changes nothing except your own understanding.
"""

import jax, jax.numpy as jnp
import numpy as np

N_USERS = 1000000
N_ITEMS = 1000000
EMB_DIM = 32
BATCH = 16384

def setup_inputs(seed: int = 0) -> dict:
    key = jax.random.key(seed)
    k1, k2, k3, k4 = jax.random.split(key, 4)
    user_idx = jax.random.randint(k1, (BATCH,), 0, N_USERS, dtype=jnp.int64 if jax.config.jax_enable_x64 else jnp.int32)
    item_idx = jax.random.randint(k2, (BATCH,), 0, N_ITEMS, dtype=jnp.int64 if jax.config.jax_enable_x64 else jnp.int32)
    # kaiming_uniform_ on a [fan_out, fan_in] weight: bound = sqrt(6 / fan_in) with a=sqrt(5) default gain adjustments;
    # torch kaiming_uniform_ default: a=0, mode='fan_in', nonlinearity='leaky_relu' -> gain=sqrt(2), bound=gain*sqrt(3/fan_in)
    bound = np.sqrt(2.0) * np.sqrt(3.0 / EMB_DIM)
    user_table = jax.random.uniform(k3, (N_USERS, EMB_DIM), minval=-bound, maxval=bound, dtype=jnp.float32)
    item_table = jax.random.uniform(k4, (N_ITEMS, EMB_DIM), minval=-bound, maxval=bound, dtype=jnp.float32)
    return {"user_idx": user_idx, "item_idx": item_idx, "user_table": user_table, "item_table": item_table}

def reference(user_idx, item_idx, user_table, item_table):
    user_embedding = jnp.take(user_table, user_idx, axis=0)
    item_embedding = jnp.take(item_table, item_idx, axis=0)
    score = jnp.sum(user_embedding * item_embedding, axis=1)
    return jnp.squeeze(score)

if __name__ == "__main__":
    import jax
    _d = setup_inputs()
    print(jax.jit(kernel)(*tuple(_d.values())))

</pallas_src>

<mosaic_0001>
#map = affine_map<(d0, d1) -> (0)>
#map1 = affine_map<(d0, d1) -> (0, 0, 0)>
module attributes {stable_mosaic.version = 14 : i64} {
  func.func @_mf_sc_kernel(%arg0: i32, %arg1: i32, %arg2: memref<16384xi32, #tpu.memory_space<hbm>>, %arg3: memref<16384xi32, #tpu.memory_space<hbm>>, %arg4: memref<4x8x1000000xf32, #tpu.memory_space<hbm>>, %arg5: memref<4x8x1000000xf32, #tpu.memory_space<hbm>>, %arg6: memref<16384xf32, #tpu.memory_space<hbm>>, %arg7: memref<528xi32, #tpu.memory_space<vmem>>, %arg8: memref<528xi32, #tpu.memory_space<vmem>>, %arg9: memref<4x4x4x8x128xf32, #tpu.memory_space<vmem>>, %arg10: memref<3x4x4x8x128xf32, #tpu.memory_space<vmem>>, %arg11: memref<16xf32, #tpu.memory_space<vmem>>, %arg12: memref<528xf32, #tpu.memory_space<vmem>>, %arg13: memref<!tpu.dma_semaphore, #tpu.memory_space<semaphore_mem>>, %arg14: memref<!tpu.dma_semaphore, #tpu.memory_space<semaphore_mem>>, %arg15: memref<!tpu.dma_semaphore, #tpu.memory_space<semaphore_mem>>, %arg16: memref<!tpu.dma_semaphore, #tpu.memory_space<semaphore_mem>>, %arg17: memref<!tpu.dma_semaphore, #tpu.memory_space<semaphore_mem>>, %arg18: memref<!tpu.dma_semaphore, #tpu.memory_space<semaphore_mem>>, %arg19: memref<!tpu.dma_semaphore, #tpu.memory_space<semaphore_mem>>) attributes {dimension_semantics = [#tpu.dimension_semantics<core_parallel>, #tpu.dimension_semantics<subcore_parallel>], iteration_bounds = array<i64: 2, 16>, scalar_prefetch = 0 : i64, scratch_operands = 13 : i64, tpu.core_type = #tpu.core_type<sc_vector_subcore>, window_params = [{transform_indices = #map}, {transform_indices = #map}, {transform_indices = #map1}, {transform_indices = #map1}, {transform_indices = #map}]} {
    %mul3A = arith.constant 2 : i32
    %mul3A_0 = arith.muli %arg1, %mul3A : i32
    %add3A = arith.addi %mul3A_0, %arg0 : i32
    %mul3A_1 = arith.constant 512 : i32
    %mul3A_2 = arith.muli %add3A, %mul3A_1 : i32
    "tpu.region"() ({
      %run_scoped3A = tpu.sem_alloc : memref<!tpu.dma_semaphore, #tpu.memory_space<semaphore_mem>>
      %dma_start3A = arith.constant 0 : i32
      %dma_start3A_56 = tpu.memref_slice %arg7[%dma_start3A] : memref<528xi32, #tpu.memory_space<vmem>> -> memref<512xi32, #tpu.memory_space<vmem>>
      %dma_start3A_57 = tpu.memref_slice %arg2[%mul3A_2] : memref<16384xi32, #tpu.memory_space<hbm>> -> memref<512xi32, #tpu.memory_space<hbm>>
      %dma_start3A_58 = arith.constant 0 : i32
      %dma_start3A_59 = tpu.memref_slice %arg7[%dma_start3A_58] : memref<528xi32, #tpu.memory_space<vmem>> -> memref<512xi32, #tpu.memory_space<vmem>>
      %dma_start3A_60 = tpu.memref_slice %arg2[%mul3A_2] : memref<16384xi32, #tpu.memory_space<hbm>> -> memref<512xi32, #tpu.memory_space<hbm>>
      tpu.enqueue_dma source(%dma_start3A_60 : memref<512xi32, #tpu.memory_space<hbm>>) target(%dma_start3A_59 : memref<512xi32, #tpu.memory_space<vmem>>) target_semaphore(%run_scoped3A : memref<!tpu.dma_semaphore, #tpu.memory_space<semaphore_mem>>)
      %dma_wait3A = arith.constant 0 : i32
      %dma_wait3A_61 = tpu.memref_slice %arg7[%dma_wait3A] : memref<528xi32, #tpu.memory_space<vmem>> -> memref<512xi32, #tpu.memory_space<vmem>>
      %dma_wait3A_62 = tpu.memref_slice %arg2[%mul3A_2] : memref<16384xi32, #tpu.memory_space<hbm>> -> memref<512xi32, #tpu.memory_space<hbm>>
      %dma_wait3A_63 = arith.constant 0 : i32
      %dma_wait3A_64 = tpu.memref_slice %arg7[%dma_wait3A_63] : memref<528xi32, #tpu.memory_space<vmem>> -> memref<512xi32, #tpu.memory_space<vmem>>
      %dma_wait3A_65 = tpu.memref_slice %arg2[%mul3A_2] : memref<16384xi32, #tpu.memory_space<hbm>> -> memref<512xi32, #tpu.memory_space<hbm>>
      tpu.wait_dma2 semaphore(%run_scoped3A : memref<!tpu.dma_semaphore, #tpu.memory_space<semaphore_mem>>) src(%dma_wait3A_65 : memref<512xi32, #tpu.memory_space<hbm>>) dst(%dma_wait3A_64 : memref<512xi32, #tpu.memory_space<vmem>>)
      tpu.yield
    }) : () -> ()
    "tpu.region"() ({
      %run_scoped3A = tpu.sem_alloc : memref<!tpu.dma_semaphore, #tpu.memory_space<semaphore_mem>>
      %dma_start3A = arith.constant 0 : i32
      %dma_start3A_56 = tpu.memref_slice %arg8[%dma_start3A] : memref<528xi32, #tpu.memory_space<vmem>> -> memref<512xi32, #tpu.memory_space<vmem>>
      %dma_start3A_57 = tpu.memref_slice %arg3[%mul3A_2] : memref<16384xi32, #tpu.memory_space<hbm>> -> memref<512xi32, #tpu.memory_space<hbm>>
      %dma_start3A_58 = arith.constant 0 : i32
      %dma_start3A_59 = tpu.memref_slice %arg8[%dma_start3A_58] : memref<528xi32, #tpu.memory_space<vmem>> -> memref<512xi32, #tpu.memory_space<vmem>>
      %dma_start3A_60 = tpu.memref_slice %arg3[%mul3A_2] : memref<16384xi32, #tpu.memory_space<hbm>> -> memref<512xi32, #tpu.memory_space<hbm>>
      tpu.enqueue_dma source(%dma_start3A_60 : memref<512xi32, #tpu.memory_space<hbm>>) target(%dma_start3A_59 : memref<512xi32, #tpu.memory_space<vmem>>) target_semaphore(%run_scoped3A : memref<!tpu.dma_semaphore, #tpu.memory_space<semaphore_mem>>)
      %dma_wait3A = arith.constant 0 : i32
      %dma_wait3A_61 = tpu.memref_slice %arg8[%dma_wait3A] : memref<528xi32, #tpu.memory_space<vmem>> -> memref<512xi32, #tpu.memory_space<vmem>>
      %dma_wait3A_62 = tpu.memref_slice %arg3[%mul3A_2] : memref<16384xi32, #tpu.memory_space<hbm>> -> memref<512xi32, #tpu.memory_space<hbm>>
      %dma_wait3A_63 = arith.constant 0 : i32
      %dma_wait3A_64 = tpu.memref_slice %arg8[%dma_wait3A_63] : memref<528xi32, #tpu.memory_space<vmem>> -> memref<512xi32, #tpu.memory_space<vmem>>
      %dma_wait3A_65 = tpu.memref_slice %arg3[%mul3A_2] : memref<16384xi32, #tpu.memory_space<hbm>> -> memref<512xi32, #tpu.memory_space<hbm>>
      tpu.wait_dma2 semaphore(%run_scoped3A : memref<!tpu.dma_semaphore, #tpu.memory_space<semaphore_mem>>) src(%dma_wait3A_65 : memref<512xi32, #tpu.memory_space<hbm>>) dst(%dma_wait3A_64 : memref<512xi32, #tpu.memory_space<vmem>>)
      tpu.yield
    }) : () -> ()
    %iota3A = tpu.iota {dimensions = array<i32: 0>} : vector<16xi32>
    %and3A = arith.constant 3 : i32
    %and3A_3 = vector.broadcast %and3A : i32 to vector<16xi32>
    %and3A_4 = arith.andi %iota3A, %and3A_3 : vector<16xi32>
    %shift_right_logical3A = arith.constant 2 : i32
    %shift_right_logical3A_5 = vector.broadcast %shift_right_logical3A : i32 to vector<16xi32>
    %shift_right_logical3A_6 = arith.shrui %iota3A, %shift_right_logical3A_5 : vector<16xi32>
    %eq3A = arith.constant 0 : i32
    %eq3A_7 = vector.broadcast %eq3A : i32 to vector<16xi32>
    %eq3A_8 = arith.cmpi eq, %shift_right_logical3A_6, %eq3A_7 : vector<16xi32>
    %scan3A = arith.constant 0 : i32
    %scan3A_9 = arith.constant 0 : i32
    %scan3A_10 = arith.constant 4 : i32
    %scan3A_11 = arith.addi %scan3A_9, %scan3A_10 : i32
    %scan3A_12 = arith.constant 1 : i32
    scf.for %scan3A_56 = %scan3A_9 to %scan3A_11 step %scan3A_12  : i32 {
      %add3A_57 = arith.constant 0 : i32
      %add3A_58 = arith.addi %add3A_57, %scan3A_56 : i32
      %get3A = arith.index_cast %add3A_58 : i32 to index
      %get3A_59 = tpu.vector_load %arg7[%get3A] {strides = array<i32>} : memref<528xi32, #tpu.memory_space<vmem>>, vector<16xi32>,
      %slice3A = vector.extract_strided_slice %get3A_59 {offsets = [0], sizes = [1], strides = [1]} : vector<16xi32> to vector<1xi32>
      %squeeze3A = vector.extract %slice3A[0] : i32 from vector<1xi32>
      %and3A_60 = arith.constant -128 : i32
      %and3A_61 = arith.andi %squeeze3A, %and3A_60 : i32
      %multiple_of3A = tpu.assume_multiple %and3A_61, 128 : i32
      %dma_start3A = arith.constant 0 : i32
      %dma_start3A_62 = arith.constant 0 : i32
      %dma_start3A_63 = arith.constant 0 : i32
      %dma_start3A_64 = arith.constant 0 : i32
      %dma_start3A_65 = tpu.memref_slice %arg9[%dma_start3A, %scan3A_56, %dma_start3A_62, %dma_start3A_63, %dma_start3A_64] : memref<4x4x4x8x128xf32, #tpu.memory_space<vmem>> -> memref<1x1x4x8x128xf32, #tpu.memory_space<vmem>>
      %dma_start3A_66 = tpu.memref_squeeze %dma_start3A_65 : memref<1x1x4x8x128xf32, #tpu.memory_space<vmem>> -> memref<4x8x128xf32, #tpu.memory_space<vmem>>
      %dma_start3A_67 = arith.constant 0 : i32
      %dma_start3A_68 = arith.constant 0 : i32
      %dma_start3A_69 = tpu.memref_slice %arg4[%dma_start3A_67, %dma_start3A_68, %multiple_of3A] : memref<4x8x1000000xf32, #tpu.memory_space<hbm>> -> memref<4x8x128xf32, #tpu.memory_space<hbm>>
      %dma_start3A_70 = arith.constant 0 : i32
      %dma_start3A_71 = arith.constant 0 : i32
      %dma_start3A_72 = arith.constant 0 : i32
      %dma_start3A_73 = tpu.memref_slice %arg9[%dma_start3A, %scan3A_56, %dma_start3A_70, %dma_start3A_71, %dma_start3A_72] : memref<4x4x4x8x128xf32, #tpu.memory_space<vmem>> -> memref<1x1x4x8x128xf32, #tpu.memory_space<vmem>>
      %dma_start3A_74 = tpu.memref_squeeze %dma_start3A_73 : memref<1x1x4x8x128xf32, #tpu.memory_space<vmem>> -> memref<4x8x128xf32, #tpu.memory_space<vmem>>
      %dma_start3A_75 = arith.constant 0 : i32
      %dma_start3A_76 = arith.constant 0 : i32
      %dma_start3A_77 = tpu.memref_slice %arg4[%dma_start3A_75, %dma_start3A_76, %multiple_of3A] : memref<4x8x1000000xf32, #tpu.memory_space<hbm>> -> memref<4x8x128xf32, #tpu.memory_space<hbm>>
      tpu.enqueue_dma source(%dma_start3A_77 : memref<4x8x128xf32, #tpu.memory_space<hbm>>) target(%dma_start3A_74 : memref<4x8x128xf32, #tpu.memory_space<vmem>>) target_semaphore(%arg13 : memref<!tpu.dma_semaphore, #tpu.memory_space<semaphore_mem>>)
    }
    %scan3A_13 = arith.constant 4 : i32
    %scan3A_14 = arith.constant 0 : i32
    %scan3A_15 = arith.constant 0 : i32
    %scan3A_16 = arith.constant 4 : i32
    %scan3A_17 = arith.addi %scan3A_15, %scan3A_16 : i32
    %scan3A_18 = arith.constant 1 : i32
    scf.for %scan3A_56 = %scan3A_15 to %scan3A_17 step %scan3A_18  : i32 {
      %add3A_57 = arith.constant 0 : i32
      %add3A_58 = arith.addi %add3A_57, %scan3A_56 : i32
      %get3A = arith.index_cast %add3A_58 : i32 to index
      %get3A_59 = tpu.vector_load %arg8[%get3A] {strides = array<i32>} : memref<528xi32, #tpu.memory_space<vmem>>, vector<16xi32>,
      %slice3A = vector.extract_strided_slice %get3A_59 {offsets = [0], sizes = [1], strides = [1]} : vector<16xi32> to vector<1xi32>
      %squeeze3A = vector.extract %slice3A[0] : i32 from vector<1xi32>
      %and3A_60 = arith.constant -128 : i32
      %and3A_61 = arith.andi %squeeze3A, %and3A_60 : i32
      %multiple_of3A = tpu.assume_multiple %and3A_61, 128 : i32
      %dma_start3A = arith.constant 0 : i32
      %dma_start3A_62 = arith.constant 0 : i32
      %dma_start3A_63 = arith.constant 0 : i32
      %dma_start3A_64 = arith.constant 0 : i32
      %dma_start3A_65 = tpu.memref_slice %arg10[%dma_start3A, %scan3A_56, %dma_start3A_62, %dma_start3A_63, %dma_start3A_64] : memref<3x4x4x8x128xf32, #tpu.memory_space<vmem>> -> memref<1x1x4x8x128xf32, #tpu.memory_space<vmem>>
      %dma_start3A_66 = tpu.memref_squeeze %dma_start3A_65 : memref<1x1x4x8x128xf32, #tpu.memory_space<vmem>> -> memref<4x8x128xf32, #tpu.memory_space<vmem>>
      %dma_start3A_67 = arith.constant 0 : i32
      %dma_start3A_68 = arith.constant 0 : i32
      %dma_start3A_69 = tpu.memref_slice %arg5[%dma_start3A_67, %dma_start3A_68, %multiple_of3A] : memref<4x8x1000000xf32, #tpu.memory_space<hbm>> -> memref<4x8x128xf32, #tpu.memory_space<hbm>>
      %dma_start3A_70 = arith.constant 0 : i32
      %dma_start3A_71 = arith.constant 0 : i32
      %dma_start3A_72 = arith.constant 0 : i32
      %dma_start3A_73 = tpu.memref_slice %arg10[%dma_start3A, %scan3A_56, %dma_start3A_70, %dma_start3A_71, %dma_start3A_72] : memref<3x4x4x8x128xf32, #tpu.memory_space<vmem>> -> memref<1x1x4x8x128xf32, #tpu.memory_space<vmem>>
      %dma_start3A_74 = tpu.memref_squeeze %dma_start3A_73 : memref<1x1x4x8x128xf32, #tpu.memory_space<vmem>> -> memref<4x8x128xf32, #tpu.memory_space<vmem>>
      %dma_start3A_75 = arith.constant 0 : i32
      %dma_start3A_76 = arith.constant 0 : i32
      %dma_start3A_77 = tpu.memref_slice %arg5[%dma_start3A_75, %dma_start3A_76, %multiple_of3A] : memref<4x8x1000000xf32, #tpu.memory_space<hbm>> -> memref<4x8x128xf32, #tpu.memory_space<hbm>>
      tpu.enqueue_dma source(%dma_start3A_77 : memref<4x8x128xf32, #tpu.memory_space<hbm>>) target(%dma_start3A_74 : memref<4x8x128xf32, #tpu.memory_space<vmem>>) target_semaphore(%arg17 : memref<!tpu.dma_semaphore, #tpu.memory_space<semaphore_mem>>)
    }
    %scan3A_19 = arith.constant 4 : i32
    %scan3A_20 = arith.constant 0 : i32
    %scan3A_21 = arith.constant 0 : i32
    %scan3A_22 = arith.constant 4 : i32
    %scan3A_23 = arith.addi %scan3A_21, %scan3A_22 : i32
    %scan3A_24 = arith.constant 1 : i32
    scf.for %scan3A_56 = %scan3A_21 to %scan3A_23 step %scan3A_24  : i32 {
      %add3A_57 = arith.constant 4 : i32
      %add3A_58 = arith.addi %add3A_57, %scan3A_56 : i32
      %get3A = arith.index_cast %add3A_58 : i32 to index
      %get3A_59 = tpu.vector_load %arg7[%get3A] {strides = array<i32>} : memref<528xi32, #tpu.memory_space<vmem>>, vector<16xi32>,
      %slice3A = vector.extract_strided_slice %get3A_59 {offsets = [0], sizes = [1], strides = [1]} : vector<16xi32> to vector<1xi32>
      %squeeze3A = vector.extract %slice3A[0] : i32 from vector<1xi32>
      %and3A_60 = arith.constant -128 : i32
      %and3A_61 = arith.andi %squeeze3A, %and3A_60 : i32
      %multiple_of3A = tpu.assume_multiple %and3A_61, 128 : i32
      %dma_start3A = arith.constant 1 : i32
      %dma_start3A_62 = arith.constant 0 : i32
      %dma_start3A_63 = arith.constant 0 : i32
      %dma_start3A_64 = arith.constant 0 : i32
      %dma_start3A_65 = tpu.memref_slice %arg9[%dma_start3A, %scan3A_56, %dma_start3A_62, %dma_start3A_63, %dma_start3A_64] : memref<4x4x4x8x128xf32, #tpu.memory_space<vmem>> -> memref<1x1x4x8x128xf32, #tpu.memory_space<vmem>>
      %dma_start3A_66 = tpu.memref_squeeze %dma_start3A_65 : memref<1x1x4x8x128xf32, #tpu.memory_space<vmem>> -> memref<4x8x128xf32, #tpu.memory_space<vmem>>
      %dma_start3A_67 = arith.constant 0 : i32
      %dma_start3A_68 = arith.constant 0 : i32
      %dma_start3A_69 = tpu.memref_slice %arg4[%dma_start3A_67, %dma_start3A_68, %multiple_of3A] : memref<4x8x1000000xf32, #tpu.memory_space<hbm>> -> memref<4x8x128xf32, #tpu.memory_space<hbm>>
      %dma_start3A_70 = arith.constant 0 : i32
      %dma_start3A_71 = arith.constant 0 : i32
      %dma_start3A_72 = arith.constant 0 : i32
      %dma_start3A_73 = tpu.memref_slice %arg9[%dma_start3A, %scan3A_56, %dma_start3A_70, %dma_start3A_71, %dma_start3A_72] : memref<4x4x4x8x128xf32, #tpu.memory_space<vmem>> -> memref<1x1x4x8x128xf32, #tpu.memory_space<vmem>>
      %dma_start3A_74 = tpu.memref_squeeze %dma_start3A_73 : memref<1x1x4x8x128xf32, #tpu.memory_space<vmem>> -> memref<4x8x128xf32, #tpu.memory_space<vmem>>
      %dma_start3A_75 = arith.constant 0 : i32
      %dma_start3A_76 = arith.constant 0 : i32
      %dma_start3A_77 = tpu.memref_slice %arg4[%dma_start3A_75, %dma_start3A_76, %multiple_of3A] : memref<4x8x1000000xf32, #tpu.memory_space<hbm>> -> memref<4x8x128xf32, #tpu.memory_space<hbm>>
      tpu.enqueue_dma source(%dma_start3A_77 : memref<4x8x128xf32, #tpu.memory_space<hbm>>) target(%dma_start3A_74 : memref<4x8x128xf32, #tpu.memory_space<vmem>>) target_semaphore(%arg14 : memref<!tpu.dma_semaphore, #tpu.memory_space<semaphore_mem>>)
    }
    %scan3A_25 = arith.constant 4 : i32
    %scan3A_26 = arith.constant 0 : i32
    %scan3A_27 = arith.constant 0 : i32
    %scan3A_28 = arith.constant 4 : i32
    %scan3A_29 = arith.addi %scan3A_27, %scan3A_28 : i32
    %scan3A_30 = arith.constant 1 : i32
    scf.for %scan3A_56 = %scan3A_27 to %scan3A_29 step %scan3A_30  : i32 {
      %add3A_57 = arith.constant 4 : i32
      %add3A_58 = arith.addi %add3A_57, %scan3A_56 : i32
      %get3A = arith.index_cast %add3A_58 : i32 to index
      %get3A_59 = tpu.vector_load %arg8[%get3A] {strides = array<i32>} : memref<528xi32, #tpu.memory_space<vmem>>, vector<16xi32>,
      %slice3A = vector.extract_strided_slice %get3A_59 {offsets = [0], sizes = [1], strides = [1]} : vector<16xi32> to vector<1xi32>
      %squeeze3A = vector.extract %slice3A[0] : i32 from vector<1xi32>
      %and3A_60 = arith.constant -128 : i32
      %and3A_61 = arith.andi %squeeze3A, %and3A_60 : i32
      %multiple_of3A = tpu.assume_multiple %and3A_61, 128 : i32
      %dma_start3A = arith.constant 1 : i32
      %dma_start3A_62 = arith.constant 0 : i32
      %dma_start3A_63 = arith.constant 0 : i32
      %dma_start3A_64 = arith.constant 0 : i32
      %dma_start3A_65 = tpu.memref_slice %arg10[%dma_start3A, %scan3A_56, %dma_start3A_62, %dma_start3A_63, %dma_start3A_64] : memref<3x4x4x8x128xf32, #tpu.memory_space<vmem>> -> memref<1x1x4x8x128xf32, #tpu.memory_space<vmem>>
      %dma_start3A_66 = tpu.memref_squeeze %dma_start3A_65 : memref<1x1x4x8x128xf32, #tpu.memory_space<vmem>> -> memref<4x8x128xf32, #tpu.memory_space<vmem>>
      %dma_start3A_67 = arith.constant 0 : i32
      %dma_start3A_68 = arith.constant 0 : i32
      %dma_start3A_69 = tpu.memref_slice %arg5[%dma_start3A_67, %dma_start3A_68, %multiple_of3A] : memref<4x8x1000000xf32, #tpu.memory_space<hbm>> -> memref<4x8x128xf32, #tpu.memory_space<hbm>>
      %dma_start3A_70 = arith.constant 0 : i32
      %dma_start3A_71 = arith.constant 0 : i32
      %dma_start3A_72 = arith.constant 0 : i32
      %dma_start3A_73 = tpu.memref_slice %arg10[%dma_start3A, %scan3A_56, %dma_start3A_70, %dma_start3A_71, %dma_start3A_72] : memref<3x4x4x8x128xf32, #tpu.memory_space<vmem>> -> memref<1x1x4x8x128xf32, #tpu.memory_space<vmem>>
      %dma_start3A_74 = tpu.memref_squeeze %dma_start3A_73 : memref<1x1x4x8x128xf32, #tpu.memory_space<vmem>> -> memref<4x8x128xf32, #tpu.memory_space<vmem>>
      %dma_start3A_75 = arith.constant 0 : i32
      %dma_start3A_76 = arith.constant 0 : i32
      %dma_start3A_77 = tpu.memref_slice %arg5[%dma_start3A_75, %dma_start3A_76, %multiple_of3A] : memref<4x8x1000000xf32, #tpu.memory_space<hbm>> -> memref<4x8x128xf32, #tpu.memory_space<hbm>>
      tpu.enqueue_dma source(%dma_start3A_77 : memref<4x8x128xf32, #tpu.memory_space<hbm>>) target(%dma_start3A_74 : memref<4x8x128xf32, #tpu.memory_space<vmem>>) target_semaphore(%arg18 : memref<!tpu.dma_semaphore, #tpu.memory_space<semaphore_mem>>)
    }
    %scan3A_31 = arith.constant 4 : i32
    %scan3A_32 = arith.constant 0 : i32
    %scan3A_33 = arith.constant 0 : i32
    %scan3A_34 = arith.constant 4 : i32
    %scan3A_35 = arith.addi %scan3A_33, %scan3A_34 : i32
    %scan3A_36 = arith.constant 1 : i32
    scf.for %scan3A_56 = %scan3A_33 to %scan3A_35 step %scan3A_36  : i32 {
      %add3A_57 = arith.constant 8 : i32
      %add3A_58 = arith.addi %add3A_57, %scan3A_56 : i32
      %get3A = arith.index_cast %add3A_58 : i32 to index
      %get3A_59 = tpu.vector_load %arg7[%get3A] {strides = array<i32>} : memref<528xi32, #tpu.memory_space<vmem>>, vector<16xi32>,
      %slice3A = vector.extract_strided_slice %get3A_59 {offsets = [0], sizes = [1], strides = [1]} : vector<16xi32> to vector<1xi32>
      %squeeze3A = vector.extract %slice3A[0] : i32 from vector<1xi32>
      %and3A_60 = arith.constant -128 : i32
      %and3A_61 = arith.andi %squeeze3A, %and3A_60 : i32
      %multiple_of3A = tpu.assume_multiple %and3A_61, 128 : i32
      %dma_start3A = arith.constant 2 : i32
      %dma_start3A_62 = arith.constant 0 : i32
      %dma_start3A_63 = arith.constant 0 : i32
      %dma_start3A_64 = arith.constant 0 : i32
      %dma_start3A_65 = tpu.memref_slice %arg9[%dma_start3A, %scan3A_56, %dma_start3A_62, %dma_start3A_63, %dma_start3A_64] : memref<4x4x4x8x128xf32, #tpu.memory_space<vmem>> -> memref<1x1x4x8x128xf32, #tpu.memory_space<vmem>>
      %dma_start3A_66 = tpu.memref_squeeze %dma_start3A_65 : memref<1x1x4x8x128xf32, #tpu.memory_space<vmem>> -> memref<4x8x128xf32, #tpu.memory_space<vmem>>
      %dma_start3A_67 = arith.constant 0 : i32
      %dma_start3A_68 = arith.constant 0 : i32
      %dma_start3A_69 = tpu.memref_slice %arg4[%dma_start3A_67, %dma_start3A_68, %multiple_of3A] : memref<4x8x1000000xf32, #tpu.memory_space<hbm>> -> memref<4x8x128xf32, #tpu.memory_space<hbm>>
      %dma_start3A_70 = arith.constant 0 : i32
      %dma_start3A_71 = arith.constant 0 : i32
      %dma_start3A_72 = arith.constant 0 : i32
      %dma_start3A_73 = tpu.memref_slice %arg9[%dma_start3A, %scan3A_56, %dma_start3A_70, %dma_start3A_71, %dma_start3A_72] : memref<4x4x4x8x128xf32, #tpu.memory_space<vmem>> -> memref<1x1x4x8x128xf32, #tpu.memory_space<vmem>>
      %dma_start3A_74 = tpu.memref_squeeze %dma_start3A_73 : memref<1x1x4x8x128xf32, #tpu.memory_space<vmem>> -> memref<4x8x128xf32, #tpu.memory_space<vmem>>
      %dma_start3A_75 = arith.constant 0 : i32
      %dma_start3A_76 = arith.constant 0 : i32
      %dma_start3A_77 = tpu.memref_slice %arg4[%dma_start3A_75, %dma_start3A_76, %multiple_of3A] : memref<4x8x1000000xf32, #tpu.memory_space<hbm>> -> memref<4x8x128xf32, #tpu.memory_space<hbm>>
      tpu.enqueue_dma source(%dma_start3A_77 : memref<4x8x128xf32, #tpu.memory_space<hbm>>) target(%dma_start3A_74 : memref<4x8x128xf32, #tpu.memory_space<vmem>>) target_semaphore(%arg15 : memref<!tpu.dma_semaphore, #tpu.memory_space<semaphore_mem>>)
    }
    %scan3A_37 = arith.constant 4 : i32
    %scan3A_38 = arith.constant 0 : i32
    %scan3A_39 = arith.constant 0 : i32
    %scan3A_40 = arith.constant 4 : i32
    %scan3A_41 = arith.addi %scan3A_39, %scan3A_40 : i32
    %scan3A_42 = arith.constant 1 : i32
    scf.for %scan3A_56 = %scan3A_39 to %scan3A_41 step %scan3A_42  : i32 {
      %add3A_57 = arith.constant 8 : i32
      %add3A_58 = arith.addi %add3A_57, %scan3A_56 : i32
      %get3A = arith.index_cast %add3A_58 : i32 to index
      %get3A_59 = tpu.vector_load %arg8[%get3A] {strides = array<i32>} : memref<528xi32, #tpu.memory_space<vmem>>, vector<16xi32>,
      %slice3A = vector.extract_strided_slice %get3A_59 {offsets = [0], sizes = [1], strides = [1]} : vector<16xi32> to vector<1xi32>
      %squeeze3A = vector.extract %slice3A[0] : i32 from vector<1xi32>
      %and3A_60 = arith.constant -128 : i32
      %and3A_61 = arith.andi %squeeze3A, %and3A_60 : i32
      %multiple_of3A = tpu.assume_multiple %and3A_61, 128 : i32
      %dma_start3A = arith.constant 2 : i32
      %dma_start3A_62 = arith.constant 0 : i32
      %dma_start3A_63 = arith.constant 0 : i32
      %dma_start3A_64 = arith.constant 0 : i32
      %dma_start3A_65 = tpu.memref_slice %arg10[%dma_start3A, %scan3A_56, %dma_start3A_62, %dma_start3A_63, %dma_start3A_64] : memref<3x4x4x8x128xf32, #tpu.memory_space<vmem>> -> memref<1x1x4x8x128xf32, #tpu.memory_space<vmem>>
      %dma_start3A_66 = tpu.memref_squeeze %dma_start3A_65 : memref<1x1x4x8x128xf32, #tpu.memory_space<vmem>> -> memref<4x8x128xf32, #tpu.memory_space<vmem>>
      %dma_start3A_67 = arith.constant 0 : i32
      %dma_start3A_68 = arith.constant 0 : i32
      %dma_start3A_69 = tpu.memref_slice %arg5[%dma_start3A_67, %dma_start3A_68, %multiple_of3A] : memref<4x8x1000000xf32, #tpu.memory_space<hbm>> -> memref<4x8x128xf32, #tpu.memory_space<hbm>>
      %dma_start3A_70 = arith.constant 0 : i32
      %dma_start3A_71 = arith.constant 0 : i32
      %dma_start3A_72 = arith.constant 0 : i32
      %dma_start3A_73 = tpu.memref_slice %arg10[%dma_start3A, %scan3A_56, %dma_start3A_70, %dma_start3A_71, %dma_start3A_72] : memref<3x4x4x8x128xf32, #tpu.memory_space<vmem>> -> memref<1x1x4x8x128xf32, #tpu.memory_space<vmem>>
      %dma_start3A_74 = tpu.memref_squeeze %dma_start3A_73 : memref<1x1x4x8x128xf32, #tpu.memory_space<vmem>> -> memref<4x8x128xf32, #tpu.memory_space<vmem>>
      %dma_start3A_75 = arith.constant 0 : i32
      %dma_start3A_76 = arith.constant 0 : i32
      %dma_start3A_77 = tpu.memref_slice %arg5[%dma_start3A_75, %dma_start3A_76, %multiple_of3A] : memref<4x8x1000000xf32, #tpu.memory_space<hbm>> -> memref<4x8x128xf32, #tpu.memory_space<hbm>>
      tpu.enqueue_dma source(%dma_start3A_77 : memref<4x8x128xf32, #tpu.memory_space<hbm>>) target(%dma_start3A_74 : memref<4x8x128xf32, #tpu.memory_space<vmem>>) target_semaphore(%arg19 : memref<!tpu.dma_semaphore, #tpu.memory_space<semaphore_mem>>)
    }
    %scan3A_43 = arith.constant 4 : i32
    %scan3A_44 = arith.constant 0 : i32
    %scan3A_45 = arith.constant 0 : i32
    %scan3A_46 = arith.constant 4 : i32
    %scan3A_47 = arith.addi %scan3A_45, %scan3A_46 : i32
    %scan3A_48 = arith.constant 1 : i32
    scf.for %scan3A_56 = %scan3A_45 to %scan3A_47 step %scan3A_48  : i32 {
      %add3A_57 = arith.constant 12 : i32
      %add3A_58 = arith.addi %add3A_57, %scan3A_56 : i32
      %get3A = arith.index_cast %add3A_58 : i32 to index
      %get3A_59 = tpu.vector_load %arg7[%get3A] {strides = array<i32>} : memref<528xi32, #tpu.memory_space<vmem>>, vector<16xi32>,
      %slice3A = vector.extract_strided_slice %get3A_59 {offsets = [0], sizes = [1], strides = [1]} : vector<16xi32> to vector<1xi32>
      %squeeze3A = vector.extract %slice3A[0] : i32 from vector<1xi32>
      %and3A_60 = arith.constant -128 : i32
      %and3A_61 = arith.andi %squeeze3A, %and3A_60 : i32
      %multiple_of3A = tpu.assume_multiple %and3A_61, 128 : i32
      %dma_start3A = arith.constant 3 : i32
      %dma_start3A_62 = arith.constant 0 : i32
      %dma_start3A_63 = arith.constant 0 : i32
      %dma_start3A_64 = arith.constant 0 : i32
      %dma_start3A_65 = tpu.memref_slice %arg9[%dma_start3A, %scan3A_56, %dma_start3A_62, %dma_start3A_63, %dma_start3A_64] : memref<4x4x4x8x128xf32, #tpu.memory_space<vmem>> -> memref<1x1x4x8x128xf32, #tpu.memory_space<vmem>>
      %dma_start3A_66 = tpu.memref_squeeze %dma_start3A_65 : memref<1x1x4x8x128xf32, #tpu.memory_space<vmem>> -> memref<4x8x128xf32, #tpu.memory_space<vmem>>
      %dma_start3A_67 = arith.constant 0 : i32
      %dma_start3A_68 = arith.constant 0 : i32
      %dma_start3A_69 = tpu.memref_slice %arg4[%dma_start3A_67, %dma_start3A_68, %multiple_of3A] : memref<4x8x1000000xf32, #tpu.memory_space<hbm>> -> memref<4x8x128xf32, #tpu.memory_space<hbm>>
      %dma_start3A_70 = arith.constant 0 : i32
      %dma_start3A_71 = arith.constant 0 : i32
      %dma_start3A_72 = arith.constant 0 : i32
      %dma_start3A_73 = tpu.memref_slice %arg9[%dma_start3A, %scan3A_56, %dma_start3A_70, %dma_start3A_71, %dma_start3A_72] : memref<4x4x4x8x128xf32, #tpu.memory_space<vmem>> -> memref<1x1x4x8x128xf32, #tpu.memory_space<vmem>>
      %dma_start3A_74 = tpu.memref_squeeze %dma_start3A_73 : memref<1x1x4x8x128xf32, #tpu.memory_space<vmem>> -> memref<4x8x128xf32, #tpu.memory_space<vmem>>
      %dma_start3A_75 = arith.constant 0 : i32
      %dma_start3A_76 = arith.constant 0 : i32
      %dma_start3A_77 = tpu.memref_slice %arg4[%dma_start3A_75, %dma_start3A_76, %multiple_of3A] : memref<4x8x1000000xf32, #tpu.memory_space<hbm>> -> memref<4x8x128xf32, #tpu.memory_space<hbm>>
      tpu.enqueue_dma source(%dma_start3A_77 : memref<4x8x128xf32, #tpu.memory_space<hbm>>) target(%dma_start3A_74 : memref<4x8x128xf32, #tpu.memory_space<vmem>>) target_semaphore(%arg16 : memref<!tpu.dma_semaphore, #tpu.memory_space<semaphore_mem>>)
    }
    %scan3A_49 = arith.constant 4 : i32
    %scan3A_50 = arith.constant 0 : i32
    %scan3A_51 = arith.constant 0 : i32
    %scan3A_52 = arith.constant 128 : i32
    %scan3A_53 = arith.addi %scan3A_51, %scan3A_52 : i32
    %scan3A_54 = arith.constant 1 : i32
    scf.for %scan3A_56 = %scan3A_51 to %scan3A_53 step %scan3A_54  : i32 {
      %mul3A_57 = arith.constant 4 : i32
      %mul3A_58 = arith.muli %scan3A_56, %mul3A_57 : i32
      %and3A_59 = arith.constant 3 : i32
      %and3A_60 = arith.andi %scan3A_56, %and3A_59 : i32
      %rem3A = arith.constant 3 : i32
      %rem3A_61 = arith.remsi %scan3A_56, %rem3A : i32
      %broadcast_in_dim3A = arith.constant 0 : i32
      %broadcast_in_dim3A_62 = vector.broadcast %broadcast_in_dim3A : i32 to vector<16xi32>
      %add3A_63 = vector.broadcast %and3A_60 : i32 to vector<16xi32>
      %add3A_64 = arith.addi %broadcast_in_dim3A_62, %add3A_63 : vector<16xi32>
      %broadcast_in_dim3A_65 = arith.constant 0 : i32
      %broadcast_in_dim3A_66 = vector.broadcast %broadcast_in_dim3A_65 : i32 to vector<16xi32>
      %add3A_67 = vector.broadcast %rem3A_61 : i32 to vector<16xi32>
      %add3A_68 = arith.addi %broadcast_in_dim3A_66, %add3A_67 : vector<16xi32>
      %eq3A_69 = arith.constant 0 : i32
      %eq3A_70 = arith.cmpi eq, %and3A_60, %eq3A_69 : i32
      %convert_element_type3A = arith.extui %eq3A_70 : i1 to i32
      %cond3A = arith.constant 0 : i32
      %cond3A_71 = arith.cmpi ne, %convert_element_type3A, %cond3A : i32
      scf.if %cond3A_71 {
        %dma_wait3A = arith.constant 0 : i32
        %dma_wait3A_270 = arith.constant 0 : i32
        %dma_wait3A_271 = arith.constant 0 : i32
        %dma_wait3A_272 = arith.constant 0 : i32
        %dma_wait3A_273 = arith.constant 0 : i32
        %dma_wait3A_274 = tpu.memref_slice %arg9[%dma_wait3A, %dma_wait3A_270, %dma_wait3A_271, %dma_wait3A_272, %dma_wait3A_273] : memref<4x4x4x8x128xf32, #tpu.memory_space<vmem>> -> memref<1x1x4x8x128xf32, #tpu.memory_space<vmem>>
        %dma_wait3A_275 = tpu.memref_squeeze %dma_wait3A_274 : memref<1x1x4x8x128xf32, #tpu.memory_space<vmem>> -> memref<4x8x128xf32, #tpu.memory_space<vmem>>
        %dma_wait3A_276 = arith.constant 0 : i32
        %dma_wait3A_277 = arith.constant 0 : i32
        %dma_wait3A_278 = arith.constant 0 : i32
        %dma_wait3A_279 = tpu.memref_slice %arg4[%dma_wait3A_276, %dma_wait3A_277, %dma_wait3A_278] : memref<4x8x1000000xf32, #tpu.memory_space<hbm>> -> memref<4x8x128xf32, #tpu.memory_space<hbm>>
        %dma_wait3A_280 = arith.constant 0 : i32
        %dma_wait3A_281 = arith.constant 0 : i32
        %dma_wait3A_282 = arith.constant 0 : i32
        %dma_wait3A_283 = tpu.memref_slice %arg9[%dma_wait3A, %dma_wait3A_270, %dma_wait3A_280, %dma_wait3A_281, %dma_wait3A_282] : memref<4x4x4x8x128xf32, #tpu.memory_space<vmem>> -> memref<1x1x4x8x128xf32, #tpu.memory_space<vmem>>
        %dma_wait3A_284 = tpu.memref_squeeze %dma_wait3A_283 : memref<1x1x4x8x128xf32, #tpu.memory_space<vmem>> -> memref<4x8x128xf32, #tpu.memory_space<vmem>>
        %dma_wait3A_285 = arith.constant 0 : i32
        %dma_wait3A_286 = arith.constant 0 : i32
        %dma_wait3A_287 = arith.constant 0 : i32
        %dma_wait3A_288 = tpu.memref_slice %arg4[%dma_wait3A_285, %dma_wait3A_286, %dma_wait3A_287] : memref<4x8x1000000xf32, #tpu.memory_space<hbm>> -> memref<4x8x128xf32, #tpu.memory_space<hbm>>
        tpu.wait_dma2 semaphore(%arg13 : memref<!tpu.dma_semaphore, #tpu.memory_space<semaphore_mem>>) src(%dma_wait3A_288 : memref<4x8x128xf32, #tpu.memory_space<hbm>>) dst(%dma_wait3A_284 : memref<4x8x128xf32, #tpu.memory_space<vmem>>)
        %dma_wait3A_289 = arith.constant 0 : i32
        %dma_wait3A_290 = arith.constant 0 : i32
        %dma_wait3A_291 = arith.constant 0 : i32
        %dma_wait3A_292 = arith.constant 0 : i32
        %dma_wait3A_293 = arith.constant 0 : i32
        %dma_wait3A_294 = tpu.memref_slice %arg9[%dma_wait3A_289, %dma_wait3A_290, %dma_wait3A_291, %dma_wait3A_292, %dma_wait3A_293] : memref<4x4x4x8x128xf32, #tpu.memory_space<vmem>> -> memref<1x1x4x8x128xf32, #tpu.memory_space<vmem>>
        %dma_wait3A_295 = tpu.memref_squeeze %dma_wait3A_294 : memref<1x1x4x8x128xf32, #tpu.memory_space<vmem>> -> memref<4x8x128xf32, #tpu.memory_space<vmem>>
        %dma_wait3A_296 = arith.constant 0 : i32
        %dma_wait3A_297 = arith.constant 0 : i32
        %dma_wait3A_298 = arith.constant 0 : i32
        %dma_wait3A_299 = tpu.memref_slice %arg4[%dma_wait3A_296, %dma_wait3A_297, %dma_wait3A_298] : memref<4x8x1000000xf32, #tpu.memory_space<hbm>> -> memref<4x8x128xf32, #tpu.memory_space<hbm>>
        %dma_wait3A_300 = arith.constant 0 : i32
        %dma_wait3A_301 = arith.constant 0 : i32
        %dma_wait3A_302 = arith.constant 0 : i32
        %dma_wait3A_303 = tpu.memref_slice %arg9[%dma_wait3A_289, %dma_wait3A_290, %dma_wait3A_300, %dma_wait3A_301, %dma_wait3A_302] : memref<4x4x4x8x128xf32, #tpu.memory_space<vmem>> -> memref<1x1x4x8x128xf32, #tpu.memory_space<vmem>>
        %dma_wait3A_304 = tpu.memref_squeeze %dma_wait3A_303 : memref<1x1x4x8x128xf32, #tpu.memory_space<vmem>> -> memref<4x8x128xf32, #tpu.memory_space<vmem>>
        %dma_wait3A_305 = arith.constant 0 : i32
        %dma_wait3A_306 = arith.constant 0 : i32
        %dma_wait3A_307 = arith.constant 0 : i32
        %dma_wait3A_308 = tpu.memref_slice %arg4[%dma_wait3A_305, %dma_wait3A_306, %dma_wait3A_307] : memref<4x8x1000000xf32, #tpu.memory_space<hbm>> -> memref<4x8x128xf32, #tpu.memory_space<hbm>>
        tpu.wait_dma2 semaphore(%arg13 : memref<!tpu.dma_semaphore, #tpu.memory_space<semaphore_mem>>) src(%dma_wait3A_308 : memref<4x8x128xf32, #tpu.memory_space<hbm>>) dst(%dma_wait3A_304 : memref<4x8x128xf32, #tpu.memory_space<vmem>>)
        %dma_wait3A_309 = arith.constant 0 : i32
        %dma_wait3A_310 = arith.constant 0 : i32
        %dma_wait3A_311 = arith.constant 0 : i32
        %dma_wait3A_312 = arith.constant 0 : i32
        %dma_wait3A_313 = arith.constant 0 : i32
        %dma_wait3A_314 = tpu.memref_slice %arg9[%dma_wait3A_309, %dma_wait3A_310, %dma_wait3A_311, %dma_wait3A_312, %dma_wait3A_313] : memref<4x4x4x8x128xf32, #tpu.memory_space<vmem>> -> memref<1x1x4x8x128xf32, #tpu.memory_space<vmem>>
        %dma_wait3A_315 = tpu.memref_squeeze %dma_wait3A_314 : memref<1x1x4x8x128xf32, #tpu.memory_space<vmem>> -> memref<4x8x128xf32, #tpu.memory_space<vmem>>
        %dma_wait3A_316 = arith.constant 0 : i32
        %dma_wait3A_317 = arith.constant 0 : i32
        %dma_wait3A_318 = arith.constant 0 : i32
        %dma_wait3A_319 = tpu.memref_slice %arg4[%dma_wait3A_316, %dma_wait3A_317, %dma_wait3A_318] : memref<4x8x1000000xf32, #tpu.memory_space<hbm>> -> memref<4x8x128xf32, #tpu.memory_space<hbm>>
        %dma_wait3A_320 = arith.constant 0 : i32
        %dma_wait3A_321 = arith.constant 0 : i32
        %dma_wait3A_322 = arith.constant 0 : i32
        %dma_wait3A_323 = tpu.memref_slice %arg9[%dma_wait3A_309, %dma_wait3A_310, %dma_wait3A_320, %dma_wait3A_321, %dma_wait3A_322] : memref<4x4x4x8x128xf32, #tpu.memory_space<vmem>> -> memref<1x1x4x8x128xf32, #tpu.memory_space<vmem>>
        %dma_wait3A_324 = tpu.memref_squeeze %dma_wait3A_323 : memref<1x1x4x8x128xf32, #tpu.memory_space<vmem>> -> memref<4x8x128xf32, #tpu.memory_space<vmem>>
        %dma_wait3A_325 = arith.constant 0 : i32
        %dma_wait3A_326 = arith.constant 0 : i32
        %dma_wait3A_327 = arith.constant 0 : i32
        %dma_wait3A_328 = tpu.memref_slice %arg4[%dma_wait3A_325, %dma_wait3A_326, %dma_wait3A_327] : memref<4x8x1000000xf32, #tpu.memory_space<hbm>> -> memref<4x8x128xf32, #tpu.memory_space<hbm>>
        tpu.wait_dma2 semaphore(%arg13 : memref<!tpu.dma_semaphore, #tpu.memory_space<semaphore_mem>>) src(%dma_wait3A_328 : memref<4x8x128xf32, #tpu.memory_space<hbm>>) dst(%dma_wait3A_324 : memref<4x8x128xf32, #tpu.memory_space<vmem>>)
        %dma_wait3A_329 = arith.constant 0 : i32
        %dma_wait3A_330 = arith.constant 0 : i32
        %dma_wait3A_331 = arith.constant 0 : i32
        %dma_wait3A_332 = arith.constant 0 : i32
        %dma_wait3A_333 = arith.constant 0 : i32
        %dma_wait3A_334 = tpu.memref_slice %arg9[%dma_wait3A_329, %dma_wait3A_330, %dma_wait3A_331, %dma_wait3A_332, %dma_wait3A_333] : memref<4x4x4x8x128xf32, #tpu.memory_space<vmem>> -> memref<1x1x4x8x128xf32, #tpu.memory_space<vmem>>
        %dma_wait3A_335 = tpu.memref_squeeze %dma_wait3A_334 : memref<1x1x4x8x128xf32, #tpu.memory_space<vmem>> -> memref<4x8x128xf32, #tpu.memory_space<vmem>>
        %dma_wait3A_336 = arith.constant 0 : i32
        %dma_wait3A_337 = arith.constant 0 : i32
        %dma_wait3A_338 = arith.constant 0 : i32
        %dma_wait3A_339 = tpu.memref_slice %arg4[%dma_wait3A_336, %dma_wait3A_337, %dma_wait3A_338] : memref<4x8x1000000xf32, #tpu.memory_space<hbm>> -> memref<4x8x128xf32, #tpu.memory_space<hbm>>
        %dma_wait3A_340 = arith.constant 0 : i32
        %dma_wait3A_341 = arith.constant 0 : i32
        %dma_wait3A_342 = arith.constant 0 : i32
        %dma_wait3A_343 = tpu.memref_slice %arg9[%dma_wait3A_329, %dma_wait3A_330, %dma_wait3A_340, %dma_wait3A_341, %dma_wait3A_342] : memref<4x4x4x8x128xf32, #tpu.memory_space<vmem>> -> memref<1x1x4x8x128xf32, #tpu.memory_space<vmem>>
        %dma_wait3A_344 = tpu.memref_squeeze %dma_wait3A_343 : memref<1x1x4x8x128xf32, #tpu.memory_space<vmem>> -> memref<4x8x128xf32, #tpu.memory_space<vmem>>
        %dma_wait3A_345 = arith.constant 0 : i32
        %dma_wait3A_346 = arith.constant 0 : i32
        %dma_wait3A_347 = arith.constant 0 : i32
        %dma_wait3A_348 = tpu.memref_slice %arg4[%dma_wait3A_345, %dma_wait3A_346, %dma_wait3A_347] : memref<4x8x1000000xf32, #tpu.memory_space<hbm>> -> memref<4x8x128xf32, #tpu.memory_space<hbm>>
        tpu.wait_dma2 semaphore(%arg13 : memref<!tpu.dma_semaphore, #tpu.memory_space<semaphore_mem>>) src(%dma_wait3A_348 : memref<4x8x128xf32, #tpu.memory_space<hbm>>) dst(%dma_wait3A_344 : memref<4x8x128xf32, #tpu.memory_space<vmem>>)
      } else {
      }
      %eq3A_72 = arith.constant 1 : i32
      %eq3A_73 = arith.cmpi eq, %and3A_60, %eq3A_72 : i32
      %convert_element_type3A_74 = arith.extui %eq3A_73 : i1 to i32
      %cond3A_75 = arith.constant 0 : i32
      %cond3A_76 = arith.cmpi ne, %convert_element_type3A_74, %cond3A_75 : i32
      scf.if %cond3A_76 {
        %dma_wait3A = arith.constant 0 : i32
        %dma_wait3A_270 = arith.constant 0 : i32
        %dma_wait3A_271 = arith.constant 0 : i32
        %dma_wait3A_272 = arith.constant 0 : i32
        %dma_wait3A_273 = arith.constant 0 : i32
        %dma_wait3A_274 = tpu.memref_slice %arg9[%dma_wait3A, %dma_wait3A_270, %dma_wait3A_271, %dma_wait3A_272, %dma_wait3A_273] : memref<4x4x4x8x128xf32, #tpu.memory_space<vmem>> -> memref<1x1x4x8x128xf32, #tpu.memory_space<vmem>>
        %dma_wait3A_275 = tpu.memref_squeeze %dma_wait3A_274 : memref<1x1x4x8x128xf32, #tpu.memory_space<vmem>> -> memref<4x8x128xf32, #tpu.memory_space<vmem>>
        %dma_wait3A_276 = arith.constant 0 : i32
        %dma_wait3A_277 = arith.constant 0 : i32
        %dma_wait3A_278 = arith.constant 0 : i32
        %dma_wait3A_279 = tpu.memref_slice %arg4[%dma_wait3A_276, %dma_wait3A_277, %dma_wait3A_278] : memref<4x8x1000000xf32, #tpu.memory_space<hbm>> -> memref<4x8x128xf32, #tpu.memory_space<hbm>>
        %dma_wait3A_280 = arith.constant 0 : i32
        %dma_wait3A_281 = arith.constant 0 : i32
        %dma_wait3A_282 = arith.constant 0 : i32
        %dma_wait3A_283 = tpu.memref_slice %arg9[%dma_wait3A, %dma_wait3A_270, %dma_wait3A_280, %dma_wait3A_281, %dma_wait3A_282] : memref<4x4x4x8x128xf32, #tpu.memory_space<vmem>> -> memref<1x1x4x8x128xf32, #tpu.memory_space<vmem>>
        %dma_wait3A_284 = tpu.memref_squeeze %dma_wait3A_283 : memref<1x1x4x8x128xf32, #tpu.memory_space<vmem>> -> memref<4x8x128xf32, #tpu.memory_space<vmem>>
        %dma_wait3A_285 = arith.constant 0 : i32
        %dma_wait3A_286 = arith.constant 0 : i32
        %dma_wait3A_287 = arith.constant 0 : i32
        %dma_wait3A_288 = tpu.memref_slice %arg4[%dma_wait3A_285, %dma_wait3A_286, %dma_wait3A_287] : memref<4x8x1000000xf32, #tpu.memory_space<hbm>> -> memref<4x8x128xf32, #tpu.memory_space<hbm>>
        tpu.wait_dma2 semaphore(%arg14 : memref<!tpu.dma_semaphore, #tpu.memory_space<semaphore_mem>>) src(%dma_wait3A_288 : memref<4x8x128xf32, #tpu.memory_space<hbm>>) dst(%dma_wait3A_284 : memref<4x8x128xf32, #tpu.memory_space<vmem>>)
        %dma_wait3A_289 = arith.constant 0 : i32
        %dma_wait3A_290 = arith.constant 0 : i32
        %dma_wait3A_291 = arith.constant 0 : i32
        %dma_wait3A_292 = arith.constant 0 : i32
        %dma_wait3A_293 = arith.constant 0 : i32
        %dma_wait3A_294 = tpu.memref_slice %arg9[%dma_wait3A_289, %dma_wait3A_290, %dma_wait3A_291, %dma_wait3A_292, %dma_wait3A_293] : memref<4x4x4x8x128xf32, #tpu.memory_space<vmem>> -> memref<1x1x4x8x128xf32, #tpu.memory_space<vmem>>
        %dma_wait3A_295 = tpu.memref_squeeze %dma_wait3A_294 : memref<1x1x4x8x128xf32, #tpu.memory_space<vmem>> -> memref<4x8x128xf32, #tpu.memory_space<vmem>>
        %dma_wait3A_296 = arith.constant 0 : i32
        %dma_wait3A_297 = arith.constant 0 : i32
        %dma_wait3A_298 = arith.constant 0 : i32
        %dma_wait3A_299 = tpu.memref_slice %arg4[%dma_wait3A_296, %dma_wait3A_297, %dma_wait3A_298] : memref<4x8x1000000xf32, #tpu.memory_space<hbm>> -> memref<4x8x128xf32, #tpu.memory_space<hbm>>
        %dma_wait3A_300 = arith.constant 0 : i32
        %dma_wait3A_301 = arith.constant 0 : i32
        %dma_wait3A_302 = arith.constant 0 : i32
        %dma_wait3A_303 = tpu.memref_slice %arg9[%dma_wait3A_289, %dma_wait3A_290, %dma_wait3A_300, %dma_wait3A_301, %dma_wait3A_302] : memref<4x4x4x8x128xf32, #tpu.memory_space<vmem>> -> memref<1x1x4x8x128xf32, #tpu.memory_space<vmem>>
        %dma_wait3A_304 = tpu.memref_squeeze %dma_wait3A_303 : memref<1x1x4x8x128xf32, #tpu.memory_space<vmem>> -> memref<4x8x128xf32, #tpu.memory_space<vmem>>
        %dma_wait3A_305 = arith.constant 0 : i32
        %dma_wait3A_306 = arith.constant 0 : i32
        %dma_wait3A_307 = arith.constant 0 : i32
        %dma_wait3A_308 = tpu.memref_slice %arg4[%dma_wait3A_305, %dma_wait3A_306, %dma_wait3A_307] : memref<4x8x1000000xf32, #tpu.memory_space<hbm>> -> memref<4x8x128xf32, #tpu.memory_space<hbm>>
        tpu.wait_dma2 semaphore(%arg14 : memref<!tpu.dma_semaphore, #tpu.memory_space<semaphore_mem>>) src(%dma_wait3A_308 : memref<4x8x128xf32, #tpu.memory_space<hbm>>) dst(%dma_wait3A_304 : memref<4x8x128xf32, #tpu.memory_space<vmem>>)
        %dma_wait3A_309 = arith.constant 0 : i32
        %dma_wait3A_310 = arith.constant 0 : i32
        %dma_wait3A_311 = arith.constant 0 : i32
        %dma_wait3A_312 = arith.constant 0 : i32
        %dma_wait3A_313 = arith.constant 0 : i32
        %dma_wait3A_314 = tpu.memref_slice %arg9[%dma_wait3A_309, %dma_wait3A_310, %dma_wait3A_311, %dma_wait3A_312, %dma_wait3A_313] : memref<4x4x4x8x128xf32, #tpu.memory_space<vmem>> -> memref<1x1x4x8x128xf32, #tpu.memory_space<vmem>>
        %dma_wait3A_315 = tpu.memref_squeeze %dma_wait3A_314 : memref<1x1x4x8x128xf32, #tpu.memory_space<vmem>> -> memref<4x8x128xf32, #tpu.memory_space<vmem>>
        %dma_wait3A_316 = arith.constant 0 : i32
        %dma_wait3A_317 = arith.constant 0 : i32
        %dma_wait3A_318 = arith.constant 0 : i32
        %dma_wait3A_319 = tpu.memref_slice %arg4[%dma_wait3A_316, %dma_wait3A_317, %dma_wait3A_318] : memref<4x8x1000000xf32, #tpu.memory_space<hbm>> -> memref<4x8x128xf32, #tpu.memory_space<hbm>>
        %dma_wait3A_320 = arith.constant 0 : i32
        %dma_wait3A_321 = arith.constant 0 : i32
        %dma_wait3A_322 = arith.constant 0 : i32
        %dma_wait3A_323 = tpu.memref_slice %arg9[%dma_wait3A_309, %dma_wait3A_310, %dma_wait3A_320, %dma_wait3A_321, %dma_wait3A_322] : memref<4x4x4x8x128xf32, #tpu.memory_space<vmem>> -> memref<1x1x4x8x128xf32, #tpu.memory_space<vmem>>
        %dma_wait3A_324 = tpu.memref_squeeze %dma_wait3A_323 : memref<1x1x4x8x128xf32, #tpu.memory_space<vmem>> -> memref<4x8x128xf32, #tpu.memory_space<vmem>>
        %dma_wait3A_325 = arith.constant 0 : i32
        %dma_wait3A_326 = arith.constant 0 : i32
        %dma_wait3A_327 = arith.constant 0 : i32
        %dma_wait3A_328 = tpu.memref_slice %arg4[%dma_wait3A_325, %dma_wait3A_326, %dma_wait3A_327] : memref<4x8x1000000xf32, #tpu.memory_space<hbm>> -> memref<4x8x128xf32, #tpu.memory_space<hbm>>
        tpu.wait_dma2 semaphore(%arg14 : memref<!tpu.dma_semaphore, #tpu.memory_space<semaphore_mem>>) src(%dma_wait3A_328 : memref<4x8x128xf32, #tpu.memory_space<hbm>>) dst(%dma_wait3A_324 : memref<4x8x128xf32, #tpu.memory_space<vmem>>)
        %dma_wait3A_329 = arith.constant 0 : i32
        %dma_wait3A_330 = arith.constant 0 : i32
        %dma_wait3A_331 = arith.constant 0 : i32
        %dma_wait3A_332 = arith.constant 0 : i32
        %dma_wait3A_333 = arith.constant 0 : i32
        %dma_wait3A_334 = tpu.memref_slice %arg9[%dma_wait3A_329, %dma_wait3A_330, %dma_wait3A_331, %dma_wait3A_332, %dma_wait3A_333] : memref<4x4x4x8x128xf32, #tpu.memory_space<vmem>> -> memref<1x1x4x8x128xf32, #tpu.memory_space<vmem>>
        %dma_wait3A_335 = tpu.memref_squeeze %dma_wait3A_334 : memref<1x1x4x8x128xf32, #tpu.memory_space<vmem>> -> memref<4x8x128xf32, #tpu.memory_space<vmem>>
        %dma_wait3A_336 = arith.constant 0 : i32
        %dma_wait3A_337 = arith.constant 0 : i32
        %dma_wait3A_338 = arith.constant 0 : i32
        %dma_wait3A_339 = tpu.memref_slice %arg4[%dma_wait3A_336, %dma_wait3A_337, %dma_wait3A_338] : memref<4x8x1000000xf32, #tpu.memory_space<hbm>> -> memref<4x8x128xf32, #tpu.memory_space<hbm>>
        %dma_wait3A_340 = arith.constant 0 : i32
        %dma_wait3A_341 = arith.constant 0 : i32
        %dma_wait3A_342 = arith.constant 0 : i32
        %dma_wait3A_343 = tpu.memref_slice %arg9[%dma_wait3A_329, %dma_wait3A_330, %dma_wait3A_340, %dma_wait3A_341, %dma_wait3A_342] : memref<4x4x4x8x128xf32, #tpu.memory_space<vmem>> -> memref<1x1x4x8x128xf32, #tpu.memory_space<vmem>>
        %dma_wait3A_344 = tpu.memref_squeeze %dma_wait3A_343 : memref<1x1x4x8x128xf32, #tpu.memory_space<vmem>> -> memref<4x8x128xf32, #tpu.memory_space<vmem>>
        %dma_wait3A_345 = arith.constant 0 : i32
        %dma_wait3A_346 = arith.constant 0 : i32
        %dma_wait3A_347 = arith.constant 0 : i32
        %dma_wait3A_348 = tpu.memref_slice %arg4[%dma_wait3A_345, %dma_wait3A_346, %dma_wait3A_347] : memref<4x8x1000000xf32, #tpu.memory_space<hbm>> -> memref<4x8x128xf32, #tpu.memory_space<hbm>>
        tpu.wait_dma2 semaphore(%arg14 : memref<!tpu.dma_semaphore, #tpu.memory_space<semaphore_mem>>) src(%dma_wait3A_348 : memref<4x8x128xf32, #tpu.memory_space<hbm>>) dst(%dma_wait3A_344 : memref<4x8x128xf32, #tpu.memory_space<vmem>>)
      } else {
      }
      %eq3A_77 = arith.constant 2 : i32
      %eq3A_78 = arith.cmpi eq, %and3A_60, %eq3A_77 : i32
      %convert_element_type3A_79 = arith.extui %eq3A_78 : i1 to i32
      %cond3A_80 = arith.constant 0 : i32
      %cond3A_81 = arith.cmpi ne, %convert_element_type3A_79, %cond3A_80 : i32
      scf.if %cond3A_81 {
        %dma_wait3A = arith.constant 0 : i32
        %dma_wait3A_270 = arith.constant 0 : i32
        %dma_wait3A_271 = arith.constant 0 : i32
        %dma_wait3A_272 = arith.constant 0 : i32
        %dma_wait3A_273 = arith.constant 0 : i32
        %dma_wait3A_274 = tpu.memref_slice %arg9[%dma_wait3A, %dma_wait3A_270, %dma_wait3A_271, %dma_wait3A_272, %dma_wait3A_273] : memref<4x4x4x8x128xf32, #tpu.memory_space<vmem>> -> memref<1x1x4x8x128xf32, #tpu.memory_space<vmem>>
        %dma_wait3A_275 = tpu.memref_squeeze %dma_wait3A_274 : memref<1x1x4x8x128xf32, #tpu.memory_space<vmem>> -> memref<4x8x128xf32, #tpu.memory_space<vmem>>
        %dma_wait3A_276 = arith.constant 0 : i32
        %dma_wait3A_277 = arith.constant 0 : i32
        %dma_wait3A_278 = arith.constant 0 : i32
        %dma_wait3A_279 = tpu.memref_slice %arg4[%dma_wait3A_276, %dma_wait3A_277, %dma_wait3A_278] : memref<4x8x1000000xf32, #tpu.memory_space<hbm>> -> memref<4x8x128xf32, #tpu.memory_space<hbm>>
        %dma_wait3A_280 = arith.constant 0 : i32
        %dma_wait3A_281 = arith.constant 0 : i32
        %dma_wait3A_282 = arith.constant 0 : i32
        %dma_wait3A_283 = tpu.memref_slice %arg9[%dma_wait3A, %dma_wait3A_270, %dma_wait3A_280, %dma_wait3A_281, %dma_wait3A_282] : memref<4x4x4x8x128xf32, #tpu.memory_space<vmem>> -> memref<1x1x4x8x128xf32, #tpu.memory_space<vmem>>
        %dma_wait3A_284 = tpu.memref_squeeze %dma_wait3A_283 : memref<1x1x4x8x128xf32, #tpu.memory_space<vmem>> -> memref<4x8x128xf32, #tpu.memory_space<vmem>>
        %dma_wait3A_285 = arith.constant 0 : i32
        %dma_wait3A_286 = arith.constant 0 : i32
        %dma_wait3A_287 = arith.constant 0 : i32
        %dma_wait3A_288 = tpu.memref_slice %arg4[%dma_wait3A_285, %dma_wait3A_286, %dma_wait3A_287] : memref<4x8x1000000xf32, #tpu.memory_space<hbm>> -> memref<4x8x128xf32, #tpu.memory_space<hbm>>
        tpu.wait_dma2 semaphore(%arg15 : memref<!tpu.dma_semaphore, #tpu.memory_space<semaphore_mem>>) src(%dma_wait3A_288 : memref<4x8x128xf32, #tpu.memory_space<hbm>>) dst(%dma_wait3A_284 : memref<4x8x128xf32, #tpu.memory_space<vmem>>)
        %dma_wait3A_289 = arith.constant 0 : i32
        %dma_wait3A_290 = arith.constant 0 : i32
        %dma_wait3A_291 = arith.constant 0 : i32
        %dma_wait3A_292 = arith.constant 0 : i32
        %dma_wait3A_293 = arith.constant 0 : i32
        %dma_wait3A_294 = tpu.memref_slice %arg9[%dma_wait3A_289, %dma_wait3A_290, %dma_wait3A_291, %dma_wait3A_292, %dma_wait3A_293] : memref<4x4x4x8x128xf32, #tpu.memory_space<vmem>> -> memref<1x1x4x8x128xf32, #tpu.memory_space<vmem>>
        %dma_wait3A_295 = tpu.memref_squeeze %dma_wait3A_294 : memref<1x1x4x8x128xf32, #tpu.memory_space<vmem>> -> memref<4x8x128xf32, #tpu.memory_space<vmem>>
        %dma_wait3A_296 = arith.constant 0 : i32
        %dma_wait3A_297 = arith.constant 0 : i32
        %dma_wait3A_298 = arith.constant 0 : i32
        %dma_wait3A_299 = tpu.memref_slice %arg4[%dma_wait3A_296, %dma_wait3A_297, %dma_wait3A_298] : memref<4x8x1000000xf32, #tpu.memory_space<hbm>> -> memref<4x8x128xf32, #tpu.memory_space<hbm>>
        %dma_wait3A_300 = arith.constant 0 : i32
        %dma_wait3A_301 = arith.constant 0 : i32
        %dma_wait3A_302 = arith.constant 0 : i32
        %dma_wait3A_303 = tpu.memref_slice %arg9[%dma_wait3A_289, %dma_wait3A_290, %dma_wait3A_300, %dma_wait3A_301, %dma_wait3A_302] : memref<4x4x4x8x128xf32, #tpu.memory_space<vmem>> -> memref<1x1x4x8x128xf32, #tpu.memory_space<vmem>>
        %dma_wait3A_304 = tpu.memref_squeeze %dma_wait3A_303 : memref<1x1x4x8x128xf32, #tpu.memory_space<vmem>> -> memref<4x8x128xf32, #tpu.memory_space<vmem>>
        %dma_wait3A_305 = arith.constant 0 : i32
        %dma_wait3A_306 = arith.constant 0 : i32
        %dma_wait3A_307 = arith.constant 0 : i32
        %dma_wait3A_308 = tpu.memref_slice %arg4[%dma_wait3A_305, %dma_wait3A_306, %dma_wait3A_307] : memref<4x8x1000000xf32, #tpu.memory_space<hbm>> -> memref<4x8x128xf32, #tpu.memory_space<hbm>>
        tpu.wait_dma2 semaphore(%arg15 : memref<!tpu.dma_semaphore, #tpu.memory_space<semaphore_mem>>) src(%dma_wait3A_308 : memref<4x8x128xf32, #tpu.memory_space<hbm>>) dst(%dma_wait3A_304 : memref<4x8x128xf32, #tpu.memory_space<vmem>>)
        %dma_wait3A_309 = arith.constant 0 : i32
        %dma_wait3A_310 = arith.constant 0 : i32
        %dma_wait3A_311 = arith.constant 0 : i32
        %dma_wait3A_312 = arith.constant 0 : i32
        %dma_wait3A_313 = arith.constant 0 : i32
        %dma_wait3A_314 = tpu.memref_slice %arg9[%dma_wait3A_309, %dma_wait3A_310, %dma_wait3A_311, %dma_wait3A_312, %dma_wait3A_313] : memref<4x4x4x8x128xf32, #tpu.memory_space<vmem>> -> memref<1x1x4x8x128xf32, #tpu.memory_space<vmem>>
        %dma_wait3A_315 = tpu.memref_squeeze %dma_wait3A_314 : memref<1x1x4x8x128xf32, #tpu.memory_space<vmem>> -> memref<4x8x128xf32, #tpu.memory_space<vmem>>
        %dma_wait3A_316 = arith.constant 0 : i32
        %dma_wait3A_317 = arith.constant 0 : i32
        %dma_wait3A_318 = arith.constant 0 : i32
        %dma_wait3A_319 = tpu.memref_slice %arg4[%dma_wait3A_316, %dma_wait3A_317, %dma_wait3A_318] : memref<4x8x1000000xf32, #tpu.memory_space<hbm>> -> memref<4x8x128xf32, #tpu.memory_space<hbm>>
        %dma_wait3A_320 = arith.constant 0 : i32
        %dma_wait3A_321 = arith.constant 0 : i32
        %dma_wait3A_322 = arith.constant 0 : i32
        %dma_wait3A_323 = tpu.memref_slice %arg9[%dma_wait3A_309, %dma_wait3A_310, %dma_wait3A_320, %dma_wait3A_321, %dma_wait3A_322] : memref<4x4x4x8x128xf32, #tpu.memory_space<vmem>> -> memref<1x1x4x8x128xf32, #tpu.memory_space<vmem>>
        %dma_wait3A_324 = tpu.memref_squeeze %dma_wait3A_323 : memref<1x1x4x8x128xf32, #tpu.memory_space<vmem>> -> memref<4x8x128xf32, #tpu.memory_space<vmem>>
        %dma_wait3A_325 = arith.constant 0 : i32
        %dma_wait3A_326 = arith.constant 0 : i32
        %dma_wait3A_327 = arith.constant 0 : i32
        %dma_wait3A_328 = tpu.memref_slice %arg4[%dma_wait3A_325, %dma_wait3A_326, %dma_wait3A_327] : memref<4x8x1000000xf32, #tpu.memory_space<hbm>> -> memref<4x8x128xf32, #tpu.memory_space<hbm>>
        tpu.wait_dma2 semaphore(%arg15 : memref<!tpu.dma_semaphore, #tpu.memory_space<semaphore_mem>>) src(%dma_wait3A_328 : memref<4x8x128xf32, #tpu.memory_space<hbm>>) dst(%dma_wait3A_324 : memref<4x8x128xf32, #tpu.memory_space<vmem>>)
        %dma_wait3A_329 = arith.constant 0 : i32
        %dma_wait3A_330 = arith.constant 0 : i32
        %dma_wait3A_331 = arith.constant 0 : i32
        %dma_wait3A_332 = arith.constant 0 : i32
        %dma_wait3A_333 = arith.constant 0 : i32
        %dma_wait3A_334 = tpu.memref_slice %arg9[%dma_wait3A_329, %dma_wait3A_330, %dma_wait3A_331, %dma_wait3A_332, %dma_wait3A_333] : memref<4x4x4x8x128xf32, #tpu.memory_space<vmem>> -> memref<1x1x4x8x128xf32, #tpu.memory_space<vmem>>
        %dma_wait3A_335 = tpu.memref_squeeze %dma_wait3A_334 : memref<1x1x4x8x128xf32, #tpu.memory_space<vmem>> -> memref<4x8x128xf32, #tpu.memory_space<vmem>>
        %dma_wait3A_336 = arith.constant 0 : i32
        %dma_wait3A_337 = arith.constant 0 : i32
        %dma_wait3A_338 = arith.constant 0 : i32
        %dma_wait3A_339 = tpu.memref_slice %arg4[%dma_wait3A_336, %dma_wait3A_337, %dma_wait3A_338] : memref<4x8x1000000xf32, #tpu.memory_space<hbm>> -> memref<4x8x128xf32, #tpu.memory_space<hbm>>
        %dma_wait3A_340 = arith.constant 0 : i32
        %dma_wait3A_341 = arith.constant 0 : i32
        %dma_wait3A_342 = arith.constant 0 : i32
        %dma_wait3A_343 = tpu.memref_slice %arg9[%dma_wait3A_329, %dma_wait3A_330, %dma_wait3A_340, %dma_wait3A_341, %dma_wait3A_342] : memref<4x4x4x8x128xf32, #tpu.memory_space<vmem>> -> memref<1x1x4x8x128xf32, #tpu.memory_space<vmem>>
        %dma_wait3A_344 = tpu.memref_squeeze %dma_wait3A_343 : memref<1x1x4x8x128xf32, #tpu.memory_space<vmem>> -> memref<4x8x128xf32, #tpu.memory_space<vmem>>
        %dma_wait3A_345 = arith.constant 0 : i32
        %dma_wait3A_346 = arith.constant 0 : i32
        %dma_wait3A_347 = arith.constant 0 : i32
        %dma_wait3A_348 = tpu.memref_slice %arg4[%dma_wait3A_345, %dma_wait3A_346, %dma_wait3A_347] : memref<4x8x1000000xf32, #tpu.memory_space<hbm>> -> memref<4x8x128xf32, #tpu.memory_space<hbm>>
        tpu.wait_dma2 semaphore(%arg15 : memref<!tpu.dma_semaphore, #tpu.memory_space<semaphore_mem>>) src(%dma_wait3A_348 : memref<4x8x128xf32, #tpu.memory_space<hbm>>) dst(%dma_wait3A_344 : memref<4x8x128xf32, #tpu.memory_space<vmem>>)
      } else {
      }
      %eq3A_82 = arith.constant 3 : i32
      %eq3A_83 = arith.cmpi eq, %and3A_60, %eq3A_82 : i32
      %convert_element_type3A_84 = arith.extui %eq3A_83 : i1 to i32
      %cond3A_85 = arith.constant 0 : i32
      %cond3A_86 = arith.cmpi ne, %convert_element_type3A_84, %cond3A_85 : i32
      scf.if %cond3A_86 {
        %dma_wait3A = arith.constant 0 : i32
        %dma_wait3A_270 = arith.constant 0 : i32
        %dma_wait3A_271 = arith.constant 0 : i32
        %dma_wait3A_272 = arith.constant 0 : i32
        %dma_wait3A_273 = arith.constant 0 : i32
        %dma_wait3A_274 = tpu.memref_slice %arg9[%dma_wait3A, %dma_wait3A_270, %dma_wait3A_271, %dma_wait3A_272, %dma_wait3A_273] : memref<4x4x4x8x128xf32, #tpu.memory_space<vmem>> -> memref<1x1x4x8x128xf32, #tpu.memory_space<vmem>>
        %dma_wait3A_275 = tpu.memref_squeeze %dma_wait3A_274 : memref<1x1x4x8x128xf32, #tpu.memory_space<vmem>> -> memref<4x8x128xf32, #tpu.memory_space<vmem>>
        %dma_wait3A_276 = arith.constant 0 : i32
        %dma_wait3A_277 = arith.constant 0 : i32
        %dma_wait3A_278 = arith.constant 0 : i32
        %dma_wait3A_279 = tpu.memref_slice %arg4[%dma_wait3A_276, %dma_wait3A_277, %dma_wait3A_278] : memref<4x8x1000000xf32, #tpu.memory_space<hbm>> -> memref<4x8x128xf32, #tpu.memory_space<hbm>>
        %dma_wait3A_280 = arith.constant 0 : i32
        %dma_wait3A_281 = arith.constant 0 : i32
        %dma_wait3A_282 = arith.constant 0 : i32
        %dma_wait3A_283 = tpu.memref_slice %arg9[%dma_wait3A, %dma_wait3A_270, %dma_wait3A_280, %dma_wait3A_281, %dma_wait3A_282] : memref<4x4x4x8x128xf32, #tpu.memory_space<vmem>> -> memref<1x1x4x8x128xf32, #tpu.memory_space<vmem>>
        %dma_wait3A_284 = tpu.memref_squeeze %dma_wait3A_283 : memref<1x1x4x8x128xf32, #tpu.memory_space<vmem>> -> memref<4x8x128xf32, #tpu.memory_space<vmem>>
        %dma_wait3A_285 = arith.constant 0 : i32
        %dma_wait3A_286 = arith.constant 0 : i32
        %dma_wait3A_287 = arith.constant 0 : i32
        %dma_wait3A_288 = tpu.memref_slice %arg4[%dma_wait3A_285, %dma_wait3A_286, %dma_wait3A_287] : memref<4x8x1000000xf32, #tpu.memory_space<hbm>> -> memref<4x8x128xf32, #tpu.memory_space<hbm>>
        tpu.wait_dma2 semaphore(%arg16 : memref<!tpu.dma_semaphore, #tpu.memory_space<semaphore_mem>>) src(%dma_wait3A_288 : memref<4x8x128xf32, #tpu.memory_space<hbm>>) dst(%dma_wait3A_284 : memref<4x8x128xf32, #tpu.memory_space<vmem>>)
        %dma_wait3A_289 = arith.constant 0 : i32
        %dma_wait3A_290 = arith.constant 0 : i32
        %dma_wait3A_291 = arith.constant 0 : i32
        %dma_wait3A_292 = arith.constant 0 : i32
        %dma_wait3A_293 = arith.constant 0 : i32
        %dma_wait3A_294 = tpu.memref_slice %arg9[%dma_wait3A_289, %dma_wait3A_290, %dma_wait3A_291, %dma_wait3A_292, %dma_wait3A_293] : memref<4x4x4x8x128xf32, #tpu.memory_space<vmem>> -> memref<1x1x4x8x128xf32, #tpu.memory_space<vmem>>
        %dma_wait3A_295 = tpu.memref_squeeze %dma_wait3A_294 : memref<1x1x4x8x128xf32, #tpu.memory_space<vmem>> -> memref<4x8x128xf32, #tpu.memory_space<vmem>>
        %dma_wait3A_296 = arith.constant 0 : i32
        %dma_wait3A_297 = arith.constant 0 : i32
        %dma_wait3A_298 = arith.constant 0 : i32
        %dma_wait3A_299 = tpu.memref_slice %arg4[%dma_wait3A_296, %dma_wait3A_297, %dma_wait3A_298] : memref<4x8x1000000xf32, #tpu.memory_space<hbm>> -> memref<4x8x128xf32, #tpu.memory_space<hbm>>
        %dma_wait3A_300 = arith.constant 0 : i32
        %dma_wait3A_301 = arith.constant 0 : i32
        %dma_wait3A_302 = arith.constant 0 : i32
        %dma_wait3A_303 = tpu.memref_slice %arg9[%dma_wait3A_289, %dma_wait3A_290, %dma_wait3A_300, %dma_wait3A_301, %dma_wait3A_302] : memref<4x4x4x8x128xf32, #tpu.memory_space<vmem>> -> memref<1x1x4x8x128xf32, #tpu.memory_space<vmem>>
        %dma_wait3A_304 = tpu.memref_squeeze %dma_wait3A_303 : memref<1x1x4x8x128xf32, #tpu.memory_space<vmem>> -> memref<4x8x128xf32, #tpu.memory_space<vmem>>
        %dma_wait3A_305 = arith.constant 0 : i32
        %dma_wait3A_306 = arith.constant 0 : i32
        %dma_wait3A_307 = arith.constant 0 : i32
        %dma_wait3A_308 = tpu.memref_slice %arg4[%dma_wait3A_305, %dma_wait3A_306, %dma_wait3A_307] : memref<4x8x1000000xf32, #tpu.memory_space<hbm>> -> memref<4x8x128xf32, #tpu.memory_space<hbm>>
        tpu.wait_dma2 semaphore(%arg16 : memref<!tpu.dma_semaphore, #tpu.memory_space<semaphore_mem>>) src(%dma_wait3A_308 : memref<4x8x128xf32, #tpu.memory_space<hbm>>) dst(%dma_wait3A_304 : memref<4x8x128xf32, #tpu.memory_space<vmem>>)
        %dma_wait3A_309 = arith.constant 0 : i32
        %dma_wait3A_310 = arith.constant 0 : i32
        %dma_wait3A_311 = arith.constant 0 : i32
        %dma_wait3A_312 = arith.constant 0 : i32
        %dma_wait3A_313 = arith.constant 0 : i32
        %dma_wait3A_314 = tpu.memref_slice %arg9[%dma_wait3A_309, %dma_wait3A_310, %dma_wait3A_311, %dma_wait3A_312, %dma_wait3A_313] : memref<4x4x4x8x128xf32, #tpu.memory_space<vmem>> -> memref<1x1x4x8x128xf32, #tpu.memory_space<vmem>>
        %dma_wait3A_315 = tpu.memref_squeeze %dma_wait3A_314 : memref<1x1x4x8x128xf32, #tpu.memory_space<vmem>> -> memref<4x8x128xf32, #tpu.memory_space<vmem>>
        %dma_wait3A_316 = arith.constant 0 : i32
        %dma_wait3A_317 = arith.constant 0 : i32
        %dma_wait3A_318 = arith.constant 0 : i32
        %dma_wait3A_319 = tpu.memref_slice %arg4[%dma_wait3A_316, %dma_wait3A_317, %dma_wait3A_318] : memref<4x8x1000000xf32, #tpu.memory_space<hbm>> -> memref<4x8x128xf32, #tpu.memory_space<hbm>>
        %dma_wait3A_320 = arith.constant 0 : i32
        %dma_wait3A_321 = arith.constant 0 : i32
        %dma_wait3A_322 = arith.constant 0 : i32
        %dma_wait3A_323 = tpu.memref_slice %arg9[%dma_wait3A_309, %dma_wait3A_310, %dma_wait3A_320, %dma_wait3A_321, %dma_wait3A_322] : memref<4x4x4x8x128xf32, #tpu.memory_space<vmem>> -> memref<1x1x4x8x128xf32, #tpu.memory_space<vmem>>
        %dma_wait3A_324 = tpu.memref_squeeze %dma_wait3A_323 : memref<1x1x4x8x128xf32, #tpu.memory_space<vmem>> -> memref<4x8x128xf32, #tpu.memory_space<vmem>>
        %dma_wait3A_325 = arith.constant 0 : i32
        %dma_wait3A_326 = arith.constant 0 : i32
        %dma_wait3A_327 = arith.constant 0 : i32
        %dma_wait3A_328 = tpu.memref_slice %arg4[%dma_wait3A_325, %dma_wait3A_326, %dma_wait3A_327] : memref<4x8x1000000xf32, #tpu.memory_space<hbm>> -> memref<4x8x128xf32, #tpu.memory_space<hbm>>
        tpu.wait_dma2 semaphore(%arg16 : memref<!tpu.dma_semaphore, #tpu.memory_space<semaphore_mem>>) src(%dma_wait3A_328 : memref<4x8x128xf32, #tpu.memory_space<hbm>>) dst(%dma_wait3A_324 : memref<4x8x128xf32, #tpu.memory_space<vmem>>)
        %dma_wait3A_329 = arith.constant 0 : i32
        %dma_wait3A_330 = arith.constant 0 : i32
        %dma_wait3A_331 = arith.constant 0 : i32
        %dma_wait3A_332 = arith.constant 0 : i32
        %dma_wait3A_333 = arith.constant 0 : i32
        %dma_wait3A_334 = tpu.memref_slice %arg9[%dma_wait3A_329, %dma_wait3A_330, %dma_wait3A_331, %dma_wait3A_332, %dma_wait3A_333] : memref<4x4x4x8x128xf32, #tpu.memory_space<vmem>> -> memref<1x1x4x8x128xf32, #tpu.memory_space<vmem>>
        %dma_wait3A_335 = tpu.memref_squeeze %dma_wait3A_334 : memref<1x1x4x8x128xf32, #tpu.memory_space<vmem>> -> memref<4x8x128xf32, #tpu.memory_space<vmem>>
        %dma_wait3A_336 = arith.constant 0 : i32
        %dma_wait3A_337 = arith.constant 0 : i32
        %dma_wait3A_338 = arith.constant 0 : i32
        %dma_wait3A_339 = tpu.memref_slice %arg4[%dma_wait3A_336, %dma_wait3A_337, %dma_wait3A_338] : memref<4x8x1000000xf32, #tpu.memory_space<hbm>> -> memref<4x8x128xf32, #tpu.memory_space<hbm>>
        %dma_wait3A_340 = arith.constant 0 : i32
        %dma_wait3A_341 = arith.constant 0 : i32
        %dma_wait3A_342 = arith.constant 0 : i32
        %dma_wait3A_343 = tpu.memref_slice %arg9[%dma_wait3A_329, %dma_wait3A_330, %dma_wait3A_340, %dma_wait3A_341, %dma_wait3A_342] : memref<4x4x4x8x128xf32, #tpu.memory_space<vmem>> -> memref<1x1x4x8x128xf32, #tpu.memory_space<vmem>>
        %dma_wait3A_344 = tpu.memref_squeeze %dma_wait3A_343 : memref<1x1x4x8x128xf32, #tpu.memory_space<vmem>> -> memref<4x8x128xf32, #tpu.memory_space<vmem>>
        %dma_wait3A_345 = arith.constant 0 : i32
        %dma_wait3A_346 = arith.constant 0 : i32
        %dma_wait3A_347 = arith.constant 0 : i32
        %dma_wait3A_348 = tpu.memref_slice %arg4[%dma_wait3A_345, %dma_wait3A_346, %dma_wait3A_347] : memref<4x8x1000000xf32, #tpu.memory_space<hbm>> -> memref<4x8x128xf32, #tpu.memory_space<hbm>>
        tpu.wait_dma2 semaphore(%arg16 : memref<!tpu.dma_semaphore, #tpu.memory_space<semaphore_mem>>) src(%dma_wait3A_348 : memref<4x8x128xf32, #tpu.memory_space<hbm>>) dst(%dma_wait3A_344 : memref<4x8x128xf32, #tpu.memory_space<vmem>>)
      } else {
      }
      %eq3A_87 = arith.constant 0 : i32
      %eq3A_88 = arith.cmpi eq, %rem3A_61, %eq3A_87 : i32
      %convert_element_type3A_89 = arith.extui %eq3A_88 : i1 to i32
      %cond3A_90 = arith.constant 0 : i32
      %cond3A_91 = arith.cmpi ne, %convert_element_type3A_89, %cond3A_90 : i32
      scf.if %cond3A_91 {
        %dma_wait3A = arith.constant 0 : i32
        %dma_wait3A_270 = arith.constant 0 : i32
        %dma_wait3A_271 = arith.constant 0 : i32
        %dma_wait3A_272 = arith.constant 0 : i32
        %dma_wait3A_273 = arith.constant 0 : i32
        %dma_wait3A_274 = tpu.memref_slice %arg10[%dma_wait3A, %dma_wait3A_270, %dma_wait3A_271, %dma_wait3A_272, %dma_wait3A_273] : memref<3x4x4x8x128xf32, #tpu.memory_space<vmem>> -> memref<1x1x4x8x128xf32, #tpu.memory_space<vmem>>
        %dma_wait3A_275 = tpu.memref_squeeze %dma_wait3A_274 : memref<1x1x4x8x128xf32, #tpu.memory_space<vmem>> -> memref<4x8x128xf32, #tpu.memory_space<vmem>>
        %dma_wait3A_276 = arith.constant 0 : i32
        %dma_wait3A_277 = arith.constant 0 : i32
        %dma_wait3A_278 = arith.constant 0 : i32
        %dma_wait3A_279 = tpu.memref_slice %arg5[%dma_wait3A_276, %dma_wait3A_277, %dma_wait3A_278] : memref<4x8x1000000xf32, #tpu.memory_space<hbm>> -> memref<4x8x128xf32, #tpu.memory_space<hbm>>
        %dma_wait3A_280 = arith.constant 0 : i32
        %dma_wait3A_281 = arith.constant 0 : i32
        %dma_wait3A_282 = arith.constant 0 : i32
        %dma_wait3A_283 = tpu.memref_slice %arg10[%dma_wait3A, %dma_wait3A_270, %dma_wait3A_280, %dma_wait3A_281, %dma_wait3A_282] : memref<3x4x4x8x128xf32, #tpu.memory_space<vmem>> -> memref<1x1x4x8x128xf32, #tpu.memory_space<vmem>>
        %dma_wait3A_284 = tpu.memref_squeeze %dma_wait3A_283 : memref<1x1x4x8x128xf32, #tpu.memory_space<vmem>> -> memref<4x8x128xf32, #tpu.memory_space<vmem>>
        %dma_wait3A_285 = arith.constant 0 : i32
        %dma_wait3A_286 = arith.constant 0 : i32
        %dma_wait3A_287 = arith.constant 0 : i32
        %dma_wait3A_288 = tpu.memref_slice %arg5[%dma_wait3A_285, %dma_wait3A_286, %dma_wait3A_287] : memref<4x8x1000000xf32, #tpu.memory_space<hbm>> -> memref<4x8x128xf32, #tpu.memory_space<hbm>>
        tpu.wait_dma2 semaphore(%arg17 : memref<!tpu.dma_semaphore, #tpu.memory_space<semaphore_mem>>) src(%dma_wait3A_288 : memref<4x8x128xf32, #tpu.memory_space<hbm>>) dst(%dma_wait3A_284 : memref<4x8x128xf32, #tpu.memory_space<vmem>>)
        %dma_wait3A_289 = arith.constant 0 : i32
        %dma_wait3A_290 = arith.constant 0 : i32
        %dma_wait3A_291 = arith.constant 0 : i32
        %dma_wait3A_292 = arith.constant 0 : i32
        %dma_wait3A_293 = arith.constant 0 : i32
        %dma_wait3A_294 = tpu.memref_slice %arg10[%dma_wait3A_289, %dma_wait3A_290, %dma_wait3A_291, %dma_wait3A_292, %dma_wait3A_293] : memref<3x4x4x8x128xf32, #tpu.memory_space<vmem>> -> memref<1x1x4x8x128xf32, #tpu.memory_space<vmem>>
        %dma_wait3A_295 = tpu.memref_squeeze %dma_wait3A_294 : memref<1x1x4x8x128xf32, #tpu.memory_space<vmem>> -> memref<4x8x128xf32, #tpu.memory_space<vmem>>
        %dma_wait3A_296 = arith.constant 0 : i32
        %dma_wait3A_297 = arith.constant 0 : i32
        %dma_wait3A_298 = arith.constant 0 : i32
        %dma_wait3A_299 = tpu.memref_slice %arg5[%dma_wait3A_296, %dma_wait3A_297, %dma_wait3A_298] : memref<4x8x1000000xf32, #tpu.memory_space<hbm>> -> memref<4x8x128xf32, #tpu.memory_space<hbm>>
        %dma_wait3A_300 = arith.constant 0 : i32
        %dma_wait3A_301 = arith.constant 0 : i32
        %dma_wait3A_302 = arith.constant 0 : i32
        %dma_wait3A_303 = tpu.memref_slice %arg10[%dma_wait3A_289, %dma_wait3A_290, %dma_wait3A_300, %dma_wait3A_301, %dma_wait3A_302] : memref<3x4x4x8x128xf32, #tpu.memory_space<vmem>> -> memref<1x1x4x8x128xf32, #tpu.memory_space<vmem>>
        %dma_wait3A_304 = tpu.memref_squeeze %dma_wait3A_303 : memref<1x1x4x8x128xf32, #tpu.memory_space<vmem>> -> memref<4x8x128xf32, #tpu.memory_space<vmem>>
        %dma_wait3A_305 = arith.constant 0 : i32
        %dma_wait3A_306 = arith.constant 0 : i32
        %dma_wait3A_307 = arith.constant 0 : i32
        %dma_wait3A_308 = tpu.memref_slice %arg5[%dma_wait3A_305, %dma_wait3A_306, %dma_wait3A_307] : memref<4x8x1000000xf32, #tpu.memory_space<hbm>> -> memref<4x8x128xf32, #tpu.memory_space<hbm>>
        tpu.wait_dma2 semaphore(%arg17 : memref<!tpu.dma_semaphore, #tpu.memory_space<semaphore_mem>>) src(%dma_wait3A_308 : memref<4x8x128xf32, #tpu.memory_space<hbm>>) dst(%dma_wait3A_304 : memref<4x8x128xf32, #tpu.memory_space<vmem>>)
        %dma_wait3A_309 = arith.constant 0 : i32
        %dma_wait3A_310 = arith.constant 0 : i32
        %dma_wait3A_311 = arith.constant 0 : i32
        %dma_wait3A_312 = arith.constant 0 : i32
        %dma_wait3A_313 = arith.constant 0 : i32
        %dma_wait3A_314 = tpu.memref_slice %arg10[%dma_wait3A_309, %dma_wait3A_310, %dma_wait3A_311, %dma_wait3A_312, %dma_wait3A_313] : memref<3x4x4x8x128xf32, #tpu.memory_space<vmem>> -> memref<1x1x4x8x128xf32, #tpu.memory_space<vmem>>
        %dma_wait3A_315 = tpu.memref_squeeze %dma_wait3A_314 : memref<1x1x4x8x128xf32, #tpu.memory_space<vmem>> -> memref<4x8x128xf32, #tpu.memory_space<vmem>>
        %dma_wait3A_316 = arith.constant 0 : i32
        %dma_wait3A_317 = arith.constant 0 : i32
        %dma_wait3A_318 = arith.constant 0 : i32
        %dma_wait3A_319 = tpu.memref_slice %arg5[%dma_wait3A_316, %dma_wait3A_317, %dma_wait3A_318] : memref<4x8x1000000xf32, #tpu.memory_space<hbm>> -> memref<4x8x128xf32, #tpu.memory_space<hbm>>
        %dma_wait3A_320 = arith.constant 0 : i32
        %dma_wait3A_321 = arith.constant 0 : i32
        %dma_wait3A_322 = arith.constant 0 : i32
        %dma_wait3A_323 = tpu.memref_slice %arg10[%dma_wait3A_309, %dma_wait3A_310, %dma_wait3A_320, %dma_wait3A_321, %dma_wait3A_322] : memref<3x4x4x8x128xf32, #tpu.memory_space<vmem>> -> memref<1x1x4x8x128xf32, #tpu.memory_space<vmem>>
        %dma_wait3A_324 = tpu.memref_squeeze %dma_wait3A_323 : memref<1x1x4x8x128xf32, #tpu.memory_space<vmem>> -> memref<4x8x128xf32, #tpu.memory_space<vmem>>
        %dma_wait3A_325 = arith.constant 0 : i32
        %dma_wait3A_326 = arith.constant 0 : i32
        %dma_wait3A_327 = arith.constant 0 : i32
        %dma_wait3A_328 = tpu.memref_slice %arg5[%dma_wait3A_325, %dma_wait3A_326, %dma_wait3A_327] : memref<4x8x1000000xf32, #tpu.memory_space<hbm>> -> memref<4x8x128xf32, #tpu.memory_space<hbm>>
        tpu.wait_dma2 semaphore(%arg17 : memref<!tpu.dma_semaphore, #tpu.memory_space<semaphore_mem>>) src(%dma_wait3A_328 : memref<4x8x128xf32, #tpu.memory_space<hbm>>) dst(%dma_wait3A_324 : memref<4x8x128xf32, #tpu.memory_space<vmem>>)
        %dma_wait3A_329 = arith.constant 0 : i32
        %dma_wait3A_330 = arith.constant 0 : i32
        %dma_wait3A_331 = arith.constant 0 : i32
        %dma_wait3A_332 = arith.constant 0 : i32
        %dma_wait3A_333 = arith.constant 0 : i32
        %dma_wait3A_334 = tpu.memref_slice %arg10[%dma_wait3A_329, %dma_wait3A_330, %dma_wait3A_331, %dma_wait3A_332, %dma_wait3A_333] : memref<3x4x4x8x128xf32, #tpu.memory_space<vmem>> -> memref<1x1x4x8x128xf32, #tpu.memory_space<vmem>>
        %dma_wait3A_335 = tpu.memref_squeeze %dma_wait3A_334 : memref<1x1x4x8x128xf32, #tpu.memory_space<vmem>> -> memref<4x8x128xf32, #tpu.memory_space<vmem>>
        %dma_wait3A_336 = arith.constant 0 : i32
        %dma_wait3A_337 = arith.constant 0 : i32
        %dma_wait3A_338 = arith.constant 0 : i32
        %dma_wait3A_339 = tpu.memref_slice %arg5[%dma_wait3A_336, %dma_wait3A_337, %dma_wait3A_338] : memref<4x8x1000000xf32, #tpu.memory_space<hbm>> -> memref<4x8x128xf32, #tpu.memory_space<hbm>>
        %dma_wait3A_340 = arith.constant 0 : i32
        %dma_wait3A_341 = arith.constant 0 : i32
        %dma_wait3A_342 = arith.constant 0 : i32
        %dma_wait3A_343 = tpu.memref_slice %arg10[%dma_wait3A_329, %dma_wait3A_330, %dma_wait3A_340, %dma_wait3A_341, %dma_wait3A_342] : memref<3x4x4x8x128xf32, #tpu.memory_space<vmem>> -> memref<1x1x4x8x128xf32, #tpu.memory_space<vmem>>
        %dma_wait3A_344 = tpu.memref_squeeze %dma_wait3A_343 : memref<1x1x4x8x128xf32, #tpu.memory_space<vmem>> -> memref<4x8x128xf32, #tpu.memory_space<vmem>>
        %dma_wait3A_345 = arith.constant 0 : i32
        %dma_wait3A_346 = arith.constant 0 : i32
        %dma_wait3A_347 = arith.constant 0 : i32
        %dma_wait3A_348 = tpu.memref_slice %arg5[%dma_wait3A_345, %dma_wait3A_346, %dma_wait3A_347] : memref<4x8x1000000xf32, #tpu.memory_space<hbm>> -> memref<4x8x128xf32, #tpu.memory_space<hbm>>
        tpu.wait_dma2 semaphore(%arg17 : memref<!tpu.dma_semaphore, #tpu.memory_space<semaphore_mem>>) src(%dma_wait3A_348 : memref<4x8x128xf32, #tpu.memory_space<hbm>>) dst(%dma_wait3A_344 : memref<4x8x128xf32, #tpu.memory_space<vmem>>)
      } else {
      }
      %eq3A_92 = arith.constant 1 : i32
      %eq3A_93 = arith.cmpi eq, %rem3A_61, %eq3A_92 : i32
      %convert_element_type3A_94 = arith.extui %eq3A_93 : i1 to i32
      %cond3A_95 = arith.constant 0 : i32
      %cond3A_96 = arith.cmpi ne, %convert_element_type3A_94, %cond3A_95 : i32
      scf.if %cond3A_96 {
        %dma_wait3A = arith.constant 0 : i32
        %dma_wait3A_270 = arith.constant 0 : i32
        %dma_wait3A_271 = arith.constant 0 : i32
        %dma_wait3A_272 = arith.constant 0 : i32
        %dma_wait3A_273 = arith.constant 0 : i32
        %dma_wait3A_274 = tpu.memref_slice %arg10[%dma_wait3A, %dma_wait3A_270, %dma_wait3A_271, %dma_wait3A_272, %dma_wait3A_273] : memref<3x4x4x8x128xf32, #tpu.memory_space<vmem>> -> memref<1x1x4x8x128xf32, #tpu.memory_space<vmem>>
        %dma_wait3A_275 = tpu.memref_squeeze %dma_wait3A_274 : memref<1x1x4x8x128xf32, #tpu.memory_space<vmem>> -> memref<4x8x128xf32, #tpu.memory_space<vmem>>
        %dma_wait3A_276 = arith.constant 0 : i32
        %dma_wait3A_277 = arith.constant 0 : i32
        %dma_wait3A_278 = arith.constant 0 : i32
        %dma_wait3A_279 = tpu.memref_slice %arg5[%dma_wait3A_276, %dma_wait3A_277, %dma_wait3A_278] : memref<4x8x1000000xf32, #tpu.memory_space<hbm>> -> memref<4x8x128xf32, #tpu.memory_space<hbm>>
        %dma_wait3A_280 = arith.constant 0 : i32
        %dma_wait3A_281 = arith.constant 0 : i32
        %dma_wait3A_282 = arith.constant 0 : i32
        %dma_wait3A_283 = tpu.memref_slice %arg10[%dma_wait3A, %dma_wait3A_270, %dma_wait3A_280, %dma_wait3A_281, %dma_wait3A_282] : memref<3x4x4x8x128xf32, #tpu.memory_space<vmem>> -> memref<1x1x4x8x128xf32, #tpu.memory_space<vmem>>
        %dma_wait3A_284 = tpu.memref_squeeze %dma_wait3A_283 : memref<1x1x4x8x128xf32, #tpu.memory_space<vmem>> -> memref<4x8x128xf32, #tpu.memory_space<vmem>>
        %dma_wait3A_285 = arith.constant 0 : i32
        %dma_wait3A_286 = arith.constant 0 : i32
        %dma_wait3A_287 = arith.constant 0 : i32
        %dma_wait3A_288 = tpu.memref_slice %arg5[%dma_wait3A_285, %dma_wait3A_286, %dma_wait3A_287] : memref<4x8x1000000xf32, #tpu.memory_space<hbm>> -> memref<4x8x128xf32, #tpu.memory_space<hbm>>
        tpu.wait_dma2 semaphore(%arg18 : memref<!tpu.dma_semaphore, #tpu.memory_space<semaphore_mem>>) src(%dma_wait3A_288 : memref<4x8x128xf32, #tpu.memory_space<hbm>>) dst(%dma_wait3A_284 : memref<4x8x128xf32, #tpu.memory_space<vmem>>)
        %dma_wait3A_289 = arith.constant 0 : i32
        %dma_wait3A_290 = arith.constant 0 : i32
        %dma_wait3A_291 = arith.constant 0 : i32
        %dma_wait3A_292 = arith.constant 0 : i32
        %dma_wait3A_293 = arith.constant 0 : i32
        %dma_wait3A_294 = tpu.memref_slice %arg10[%dma_wait3A_289, %dma_wait3A_290, %dma_wait3A_291, %dma_wait3A_292, %dma_wait3A_293] : memref<3x4x4x8x128xf32, #tpu.memory_space<vmem>> -> memref<1x1x4x8x128xf32, #tpu.memory_space<vmem>>
        %dma_wait3A_295 = tpu.memref_squeeze %dma_wait3A_294 : memref<1x1x4x8x128xf32, #tpu.memory_space<vmem>> -> memref<4x8x128xf32, #tpu.memory_space<vmem>>
        %dma_wait3A_296 = arith.constant 0 : i32
        %dma_wait3A_297 = arith.constant 0 : i32
        %dma_wait3A_298 = arith.constant 0 : i32
        %dma_wait3A_299 = tpu.memref_slice %arg5[%dma_wait3A_296, %dma_wait3A_297, %dma_wait3A_298] : memref<4x8x1000000xf32, #tpu.memory_space<hbm>> -> memref<4x8x128xf32, #tpu.memory_space<hbm>>
        %dma_wait3A_300 = arith.constant 0 : i32
        %dma_wait3A_301 = arith.constant 0 : i32
        %dma_wait3A_302 = arith.constant 0 : i32
        %dma_wait3A_303 = tpu.memref_slice %arg10[%dma_wait3A_289, %dma_wait3A_290, %dma_wait3A_300, %dma_wait3A_301, %dma_wait3A_302] : memref<3x4x4x8x128xf32, #tpu.memory_space<vmem>> -> memref<1x1x4x8x128xf32, #tpu.memory_space<vmem>>
        %dma_wait3A_304 = tpu.memref_squeeze %dma_wait3A_303 : memref<1x1x4x8x128xf32, #tpu.memory_space<vmem>> -> memref<4x8x128xf32, #tpu.memory_space<vmem>>
        %dma_wait3A_305 = arith.constant 0 : i32
        %dma_wait3A_306 = arith.constant 0 : i32
        %dma_wait3A_307 = arith.constant 0 : i32
        %dma_wait3A_308 = tpu.memref_slice %arg5[%dma_wait3A_305, %dma_wait3A_306, %dma_wait3A_307] : memref<4x8x1000000xf32, #tpu.memory_space<hbm>> -> memref<4x8x128xf32, #tpu.memory_space<hbm>>
        tpu.wait_dma2 semaphore(%arg18 : memref<!tpu.dma_semaphore, #tpu.memory_space<semaphore_mem>>) src(%dma_wait3A_308 : memref<4x8x128xf32, #tpu.memory_space<hbm>>) dst(%dma_wait3A_304 : memref<4x8x128xf32, #tpu.memory_space<vmem>>)
        %dma_wait3A_309 = arith.constant 0 : i32
        %dma_wait3A_310 = arith.constant 0 : i32
        %dma_wait3A_311 = arith.constant 0 : i32
        %dma_wait3A_312 = arith.constant 0 : i32
        %dma_wait3A_313 = arith.constant 0 : i32
        %dma_wait3A_314 = tpu.memref_slice %arg10[%dma_wait3A_309, %dma_wait3A_310, %dma_wait3A_311, %dma_wait3A_312, %dma_wait3A_313] : memref<3x4x4x8x128xf32, #tpu.memory_space<vmem>> -> memref<1x1x4x8x128xf32, #tpu.memory_space<vmem>>
        %dma_wait3A_315 = tpu.memref_squeeze %dma_wait3A_314 : memref<1x1x4x8x128xf32, #tpu.memory_space<vmem>> -> memref<4x8x128xf32, #tpu.memory_space<vmem>>
        %dma_wait3A_316 = arith.constant 0 : i32
        %dma_wait3A_317 = arith.constant 0 : i32
        %dma_wait3A_318 = arith.constant 0 : i32
        %dma_wait3A_319 = tpu.memref_slice %arg5[%dma_wait3A_316, %dma_wait3A_317, %dma_wait3A_318] : memref<4x8x1000000xf32, #tpu.memory_space<hbm>> -> memref<4x8x128xf32, #tpu.memory_space<hbm>>
        %dma_wait3A_320 = arith.constant 0 : i32
        %dma_wait3A_321 = arith.constant 0 : i32
        %dma_wait3A_322 = arith.constant 0 : i32
        %dma_wait3A_323 = tpu.memref_slice %arg10[%dma_wait3A_309, %dma_wait3A_310, %dma_wait3A_320, %dma_wait3A_321, %dma_wait3A_322] : memref<3x4x4x8x128xf32, #tpu.memory_space<vmem>> -> memref<1x1x4x8x128xf32, #tpu.memory_space<vmem>>
        %dma_wait3A_324 = tpu.memref_squeeze %dma_wait3A_323 : memref<1x1x4x8x128xf32, #tpu.memory_space<vmem>> -> memref<4x8x128xf32, #tpu.memory_space<vmem>>
        %dma_wait3A_325 = arith.constant 0 : i32
        %dma_wait3A_326 = arith.constant 0 : i32
        %dma_wait3A_327 = arith.constant 0 : i32
        %dma_wait3A_328 = tpu.memref_slice %arg5[%dma_wait3A_325, %dma_wait3A_326, %dma_wait3A_327] : memref<4x8x1000000xf32, #tpu.memory_space<hbm>> -> memref<4x8x128xf32, #tpu.memory_space<hbm>>
        tpu.wait_dma2 semaphore(%arg18 : memref<!tpu.dma_semaphore, #tpu.memory_space<semaphore_mem>>) src(%dma_wait3A_328 : memref<4x8x128xf32, #tpu.memory_space<hbm>>) dst(%dma_wait3A_324 : memref<4x8x128xf32, #tpu.memory_space<vmem>>)
        %dma_wait3A_329 = arith.constant 0 : i32
        %dma_wait3A_330 = arith.constant 0 : i32
        %dma_wait3A_331 = arith.constant 0 : i32
        %dma_wait3A_332 = arith.constant 0 : i32
        %dma_wait3A_333 = arith.constant 0 : i32
        %dma_wait3A_334 = tpu.memref_slice %arg10[%dma_wait3A_329, %dma_wait3A_330, %dma_wait3A_331, %dma_wait3A_332, %dma_wait3A_333] : memref<3x4x4x8x128xf32, #tpu.memory_space<vmem>> -> memref<1x1x4x8x128xf32, #tpu.memory_space<vmem>>
        %dma_wait3A_335 = tpu.memref_squeeze %dma_wait3A_334 : memref<1x1x4x8x128xf32, #tpu.memory_space<vmem>> -> memref<4x8x128xf32, #tpu.memory_space<vmem>>
        %dma_wait3A_336 = arith.constant 0 : i32
        %dma_wait3A_337 = arith.constant 0 : i32
        %dma_wait3A_338 = arith.constant 0 : i32
        %dma_wait3A_339 = tpu.memref_slice %arg5[%dma_wait3A_336, %dma_wait3A_337, %dma_wait3A_338] : memref<4x8x1000000xf32, #tpu.memory_space<hbm>> -> memref<4x8x128xf32, #tpu.memory_space<hbm>>
        %dma_wait3A_340 = arith.constant 0 : i32
        %dma_wait3A_341 = arith.constant 0 : i32
        %dma_wait3A_342 = arith.constant 0 : i32
        %dma_wait3A_343 = tpu.memref_slice %arg10[%dma_wait3A_329, %dma_wait3A_330, %dma_wait3A_340, %dma_wait3A_341, %dma_wait3A_342] : memref<3x4x4x8x128xf32, #tpu.memory_space<vmem>> -> memref<1x1x4x8x128xf32, #tpu.memory_space<vmem>>
        %dma_wait3A_344 = tpu.memref_squeeze %dma_wait3A_343 : memref<1x1x4x8x128xf32, #tpu.memory_space<vmem>> -> memref<4x8x128xf32, #tpu.memory_space<vmem>>
        %dma_wait3A_345 = arith.constant 0 : i32
        %dma_wait3A_346 = arith.constant 0 : i32
        %dma_wait3A_347 = arith.constant 0 : i32
        %dma_wait3A_348 = tpu.memref_slice %arg5[%dma_wait3A_345, %dma_wait3A_346, %dma_wait3A_347] : memref<4x8x1000000xf32, #tpu.memory_space<hbm>> -> memref<4x8x128xf32, #tpu.memory_space<hbm>>
        tpu.wait_dma2 semaphore(%arg18 : memref<!tpu.dma_semaphore, #tpu.memory_space<semaphore_mem>>) src(%dma_wait3A_348 : memref<4x8x128xf32, #tpu.memory_space<hbm>>) dst(%dma_wait3A_344 : memref<4x8x128xf32, #tpu.memory_space<vmem>>)
      } else {
      }
      %eq3A_97 = arith.constant 2 : i32
      %eq3A_98 = arith.cmpi eq, %rem3A_61, %eq3A_97 : i32
      %convert_element_type3A_99 = arith.extui %eq3A_98 : i1 to i32
      %cond3A_100 = arith.constant 0 : i32
      %cond3A_101 = arith.cmpi ne, %convert_element_type3A_99, %cond3A_100 : i32
      scf.if %cond3A_101 {
        %dma_wait3A = arith.constant 0 : i32
        %dma_wait3A_270 = arith.constant 0 : i32
        %dma_wait3A_271 = arith.constant 0 : i32
        %dma_wait3A_272 = arith.constant 0 : i32
        %dma_wait3A_273 = arith.constant 0 : i32
        %dma_wait3A_274 = tpu.memref_slice %arg10[%dma_wait3A, %dma_wait3A_270, %dma_wait3A_271, %dma_wait3A_272, %dma_wait3A_273] : memref<3x4x4x8x128xf32, #tpu.memory_space<vmem>> -> memref<1x1x4x8x128xf32, #tpu.memory_space<vmem>>
        %dma_wait3A_275 = tpu.memref_squeeze %dma_wait3A_274 : memref<1x1x4x8x128xf32, #tpu.memory_space<vmem>> -> memref<4x8x128xf32, #tpu.memory_space<vmem>>
        %dma_wait3A_276 = arith.constant 0 : i32
        %dma_wait3A_277 = arith.constant 0 : i32
        %dma_wait3A_278 = arith.constant 0 : i32
        %dma_wait3A_279 = tpu.memref_slice %arg5[%dma_wait3A_276, %dma_wait3A_277, %dma_wait3A_278] : memref<4x8x1000000xf32, #tpu.memory_space<hbm>> -> memref<4x8x128xf32, #tpu.memory_space<hbm>>
        %dma_wait3A_280 = arith.constant 0 : i32
        %dma_wait3A_281 = arith.constant 0 : i32
        %dma_wait3A_282 = arith.constant 0 : i32
        %dma_wait3A_283 = tpu.memref_slice %arg10[%dma_wait3A, %dma_wait3A_270, %dma_wait3A_280, %dma_wait3A_281, %dma_wait3A_282] : memref<3x4x4x8x128xf32, #tpu.memory_space<vmem>> -> memref<1x1x4x8x128xf32, #tpu.memory_space<vmem>>
        %dma_wait3A_284 = tpu.memref_squeeze %dma_wait3A_283 : memref<1x1x4x8x128xf32, #tpu.memory_space<vmem>> -> memref<4x8x128xf32, #tpu.memory_space<vmem>>
        %dma_wait3A_285 = arith.constant 0 : i32
        %dma_wait3A_286 = arith.constant 0 : i32
        %dma_wait3A_287 = arith.constant 0 : i32
        %dma_wait3A_288 = tpu.memref_slice %arg5[%dma_wait3A_285, %dma_wait3A_286, %dma_wait3A_287] : memref<4x8x1000000xf32, #tpu.memory_space<hbm>> -> memref<4x8x128xf32, #tpu.memory_space<hbm>>
        tpu.wait_dma2 semaphore(%arg19 : memref<!tpu.dma_semaphore, #tpu.memory_space<semaphore_mem>>) src(%dma_wait3A_288 : memref<4x8x128xf32, #tpu.memory_space<hbm>>) dst(%dma_wait3A_284 : memref<4x8x128xf32, #tpu.memory_space<vmem>>)
        %dma_wait3A_289 = arith.constant 0 : i32
        %dma_wait3A_290 = arith.constant 0 : i32
        %dma_wait3A_291 = arith.constant 0 : i32
        %dma_wait3A_292 = arith.constant 0 : i32
        %dma_wait3A_293 = arith.constant 0 : i32
        %dma_wait3A_294 = tpu.memref_slice %arg10[%dma_wait3A_289, %dma_wait3A_290, %dma_wait3A_291, %dma_wait3A_292, %dma_wait3A_293] : memref<3x4x4x8x128xf32, #tpu.memory_space<vmem>> -> memref<1x1x4x8x128xf32, #tpu.memory_space<vmem>>
        %dma_wait3A_295 = tpu.memref_squeeze %dma_wait3A_294 : memref<1x1x4x8x128xf32, #tpu.memory_space<vmem>> -> memref<4x8x128xf32, #tpu.memory_space<vmem>>
        %dma_wait3A_296 = arith.constant 0 : i32
        %dma_wait3A_297 = arith.constant 0 : i32
        %dma_wait3A_298 = arith.constant 0 : i32
        %dma_wait3A_299 = tpu.memref_slice %arg5[%dma_wait3A_296, %dma_wait3A_297, %dma_wait3A_298] : memref<4x8x1000000xf32, #tpu.memory_space<hbm>> -> memref<4x8x128xf32, #tpu.memory_space<hbm>>
        %dma_wait3A_300 = arith.constant 0 : i32
        %dma_wait3A_301 = arith.constant 0 : i32
        %dma_wait3A_302 = arith.constant 0 : i32
        %dma_wait3A_303 = tpu.memref_slice %arg10[%dma_wait3A_289, %dma_wait3A_290, %dma_wait3A_300, %dma_wait3A_301, %dma_wait3A_302] : memref<3x4x4x8x128xf32, #tpu.memory_space<vmem>> -> memref<1x1x4x8x128xf32, #tpu.memory_space<vmem>>
        %dma_wait3A_304 = tpu.memref_squeeze %dma_wait3A_303 : memref<1x1x4x8x128xf32, #tpu.memory_space<vmem>> -> memref<4x8x128xf32, #tpu.memory_space<vmem>>
        %dma_wait3A_305 = arith.constant 0 : i32
        %dma_wait3A_306 = arith.constant 0 : i32
        %dma_wait3A_307 = arith.constant 0 : i32
        %dma_wait3A_308 = tpu.memref_slice %arg5[%dma_wait3A_305, %dma_wait3A_306, %dma_wait3A_307] : memref<4x8x1000000xf32, #tpu.memory_space<hbm>> -> memref<4x8x128xf32, #tpu.memory_space<hbm>>
        tpu.wait_dma2 semaphore(%arg19 : memref<!tpu.dma_semaphore, #tpu.memory_space<semaphore_mem>>) src(%dma_wait3A_308 : memref<4x8x128xf32, #tpu.memory_space<hbm>>) dst(%dma_wait3A_304 : memref<4x8x128xf32, #tpu.memory_space<vmem>>)
        %dma_wait3A_309 = arith.constant 0 : i32
        %dma_wait3A_310 = arith.constant 0 : i32
        %dma_wait3A_311 = arith.constant 0 : i32
        %dma_wait3A_312 = arith.constant 0 : i32
        %dma_wait3A_313 = arith.constant 0 : i32
        %dma_wait3A_314 = tpu.memref_slice %arg10[%dma_wait3A_309, %dma_wait3A_310, %dma_wait3A_311, %dma_wait3A_312, %dma_wait3A_313] : memref<3x4x4x8x128xf32, #tpu.memory_space<vmem>> -> memref<1x1x4x8x128xf32, #tpu.memory_space<vmem>>
        %dma_wait3A_315 = tpu.memref_squeeze %dma_wait3A_314 : memref<1x1x4x8x128xf32, #tpu.memory_space<vmem>> -> memref<4x8x128xf32, #tpu.memory_space<vmem>>
        %dma_wait3A_316 = arith.constant 0 : i32
        %dma_wait3A_317 = arith.constant 0 : i32
        %dma_wait3A_318 = arith.constant 0 : i32
        %dma_wait3A_319 = tpu.memref_slice %arg5[%dma_wait3A_316, %dma_wait3A_317, %dma_wait3A_318] : memref<4x8x1000000xf32, #tpu.memory_space<hbm>> -> memref<4x8x128xf32, #tpu.memory_space<hbm>>
        %dma_wait3A_320 = arith.constant 0 : i32
        %dma_wait3A_321 = arith.constant 0 : i32
        %dma_wait3A_322 = arith.constant 0 : i32
        %dma_wait3A_323 = tpu.memref_slice %arg10[%dma_wait3A_309, %dma_wait3A_310, %dma_wait3A_320, %dma_wait3A_321, %dma_wait3A_322] : memref<3x4x4x8x128xf32, #tpu.memory_space<vmem>> -> memref<1x1x4x8x128xf32, #tpu.memory_space<vmem>>
        %dma_wait3A_324 = tpu.memref_squeeze %dma_wait3A_323 : memref<1x1x4x8x128xf32, #tpu.memory_space<vmem>> -> memref<4x8x128xf32, #tpu.memory_space<vmem>>
        %dma_wait3A_325 = arith.constant 0 : i32
        %dma_wait3A_326 = arith.constant 0 : i32
        %dma_wait3A_327 = arith.constant 0 : i32
        %dma_wait3A_328 = tpu.memref_slice %arg5[%dma_wait3A_325, %dma_wait3A_326, %dma_wait3A_327] : memref<4x8x1000000xf32, #tpu.memory_space<hbm>> -> memref<4x8x128xf32, #tpu.memory_space<hbm>>
        tpu.wait_dma2 semaphore(%arg19 : memref<!tpu.dma_semaphore, #tpu.memory_space<semaphore_mem>>) src(%dma_wait3A_328 : memref<4x8x128xf32, #tpu.memory_space<hbm>>) dst(%dma_wait3A_324 : memref<4x8x128xf32, #tpu.memory_space<vmem>>)
        %dma_wait3A_329 = arith.constant 0 : i32
        %dma_wait3A_330 = arith.constant 0 : i32
        %dma_wait3A_331 = arith.constant 0 : i32
        %dma_wait3A_332 = arith.constant 0 : i32
        %dma_wait3A_333 = arith.constant 0 : i32
        %dma_wait3A_334 = tpu.memref_slice %arg10[%dma_wait3A_329, %dma_wait3A_330, %dma_wait3A_331, %dma_wait3A_332, %dma_wait3A_333] : memref<3x4x4x8x128xf32, #tpu.memory_space<vmem>> -> memref<1x1x4x8x128xf32, #tpu.memory_space<vmem>>
        %dma_wait3A_335 = tpu.memref_squeeze %dma_wait3A_334 : memref<1x1x4x8x128xf32, #tpu.memory_space<vmem>> -> memref<4x8x128xf32, #tpu.memory_space<vmem>>
        %dma_wait3A_336 = arith.constant 0 : i32
        %dma_wait3A_337 = arith.constant 0 : i32
        %dma_wait3A_338 = arith.constant 0 : i32
        %dma_wait3A_339 = tpu.memref_slice %arg5[%dma_wait3A_336, %dma_wait3A_337, %dma_wait3A_338] : memref<4x8x1000000xf32, #tpu.memory_space<hbm>> -> memref<4x8x128xf32, #tpu.memory_space<hbm>>
        %dma_wait3A_340 = arith.constant 0 : i32
        %dma_wait3A_341 = arith.constant 0 : i32
        %dma_wait3A_342 = arith.constant 0 : i32
        %dma_wait3A_343 = tpu.memref_slice %arg10[%dma_wait3A_329, %dma_wait3A_330, %dma_wait3A_340, %dma_wait3A_341, %dma_wait3A_342] : memref<3x4x4x8x128xf32, #tpu.memory_space<vmem>> -> memref<1x1x4x8x128xf32, #tpu.memory_space<vmem>>
        %dma_wait3A_344 = tpu.memref_squeeze %dma_wait3A_343 : memref<1x1x4x8x128xf32, #tpu.memory_space<vmem>> -> memref<4x8x128xf32, #tpu.memory_space<vmem>>
        %dma_wait3A_345 = arith.constant 0 : i32
        %dma_wait3A_346 = arith.constant 0 : i32
        %dma_wait3A_347 = arith.constant 0 : i32
        %dma_wait3A_348 = tpu.memref_slice %arg5[%dma_wait3A_345, %dma_wait3A_346, %dma_wait3A_347] : memref<4x8x1000000xf32, #tpu.memory_space<hbm>> -> memref<4x8x128xf32, #tpu.memory_space<hbm>>
        tpu.wait_dma2 semaphore(%arg19 : memref<!tpu.dma_semaphore, #tpu.memory_space<semaphore_mem>>) src(%dma_wait3A_348 : memref<4x8x128xf32, #tpu.memory_space<hbm>>) dst(%dma_wait3A_344 : memref<4x8x128xf32, #tpu.memory_space<vmem>>)
      } else {
      }
      %add3A_102 = vector.broadcast %mul3A_58 : i32 to vector<16xi32>
      %add3A_103 = arith.addi %add3A_102, %and3A_4 : vector<16xi32>
      %gather3A = tpu.vector_load_idx %arg7[%add3A_103] : memref<528xi32, #tpu.memory_space<vmem>>[vector<16xi32>], vector<16xi32>,
      %and3A_104 = arith.constant 127 : i32
      %and3A_105 = vector.broadcast %and3A_104 : i32 to vector<16xi32>
      %and3A_106 = arith.andi %gather3A, %and3A_105 : vector<16xi32>
      %add3A_107 = vector.broadcast %mul3A_58 : i32 to vector<16xi32>
      %add3A_108 = arith.addi %add3A_107, %and3A_4 : vector<16xi32>
      %gather3A_109 = tpu.vector_load_idx %arg8[%add3A_108] : memref<528xi32, #tpu.memory_space<vmem>>[vector<16xi32>], vector<16xi32>,
      %and3A_110 = arith.constant 127 : i32
      %and3A_111 = vector.broadcast %and3A_110 : i32 to vector<16xi32>
      %and3A_112 = arith.andi %gather3A_109, %and3A_111 : vector<16xi32>
      %broadcast_in_dim3A_113 = arith.constant 0.000000e+00 : f32
      %broadcast_in_dim3A_114 = vector.broadcast %broadcast_in_dim3A_113 : f32 to vector<16xf32>
      %broadcast_in_dim3A_115 = arith.constant 0 : i32
      %broadcast_in_dim3A_116 = vector.broadcast %broadcast_in_dim3A_115 : i32 to vector<16xi32>
      %broadcast_in_dim3A_117 = arith.constant 0 : i32
      %broadcast_in_dim3A_118 = vector.broadcast %broadcast_in_dim3A_117 : i32 to vector<16xi32>
      %add3A_119 = arith.addi %broadcast_in_dim3A_118, %shift_right_logical3A_6 : vector<16xi32>
      %gather3A_120 = tpu.vector_load_idx %arg9[%add3A_64, %and3A_4, %broadcast_in_dim3A_116, %add3A_119, %and3A_106] : memref<4x4x4x8x128xf32, #tpu.memory_space<vmem>>[vector<16xi32>, vector<16xi32>, vector<16xi32>, vector<16xi32>, vector<16xi32>], vector<16xf32>,
      %gather3A_121 = tpu.vector_load_idx %arg10[%add3A_68, %and3A_4, %broadcast_in_dim3A_116, %add3A_119, %and3A_112] : memref<3x4x4x8x128xf32, #tpu.memory_space<vmem>>[vector<16xi32>, vector<16xi32>, vector<16xi32>, vector<16xi32>, vector<16xi32>], vector<16xf32>,
      %mul3A_122 = arith.mulf %gather3A_120, %gather3A_121 : vector<16xf32>
      %add3A_123 = arith.addf %broadcast_in_dim3A_114, %mul3A_122 : vector<16xf32>
      %broadcast_in_dim3A_124 = arith.constant 0 : i32
      %broadcast_in_dim3A_125 = vector.broadcast %broadcast_in_dim3A_124 : i32 to vector<16xi32>
      %broadcast_in_dim3A_126 = arith.constant 4 : i32
      %broadcast_in_dim3A_127 = vector.broadcast %broadcast_in_dim3A_126 : i32 to vector<16xi32>
      %add3A_128 = arith.addi %broadcast_in_dim3A_127, %shift_right_logical3A_6 : vector<16xi32>
      %gather3A_129 = tpu.vector_load_idx %arg9[%add3A_64, %and3A_4, %broadcast_in_dim3A_125, %add3A_128, %and3A_106] : memref<4x4x4x8x128xf32, #tpu.memory_space<vmem>>[vector<16xi32>, vector<16xi32>, vector<16xi32>, vector<16xi32>, vector<16xi32>], vector<16xf32>,
      %gather3A_130 = tpu.vector_load_idx %arg10[%add3A_68, %and3A_4, %broadcast_in_dim3A_125, %add3A_128, %and3A_112] : memref<3x4x4x8x128xf32, #tpu.memory_space<vmem>>[vector<16xi32>, vector<16xi32>, vector<16xi32>, vector<16xi32>, vector<16xi32>], vector<16xf32>,
      %mul3A_131 = arith.mulf %gather3A_129, %gather3A_130 : vector<16xf32>
      %add3A_132 = arith.addf %add3A_123, %mul3A_131 : vector<16xf32>
      %broadcast_in_dim3A_133 = arith.constant 1 : i32
      %broadcast_in_dim3A_134 = vector.broadcast %broadcast_in_dim3A_133 : i32 to vector<16xi32>
      %broadcast_in_dim3A_135 = arith.constant 0 : i32
      %broadcast_in_dim3A_136 = vector.broadcast %broadcast_in_dim3A_135 : i32 to vector<16xi32>
      %add3A_137 = arith.addi %broadcast_in_dim3A_136, %shift_right_logical3A_6 : vector<16xi32>
      %gather3A_138 = tpu.vector_load_idx %arg9[%add3A_64, %and3A_4, %broadcast_in_dim3A_134, %add3A_137, %and3A_106] : memref<4x4x4x8x128xf32, #tpu.memory_space<vmem>>[vector<16xi32>, vector<16xi32>, vector<16xi32>, vector<16xi32>, vector<16xi32>], vector<16xf32>,
      %gather3A_139 = tpu.vector_load_idx %arg10[%add3A_68, %and3A_4, %broadcast_in_dim3A_134, %add3A_137, %and3A_112] : memref<3x4x4x8x128xf32, #tpu.memory_space<vmem>>[vector<16xi32>, vector<16xi32>, vector<16xi32>, vector<16xi32>, vector<16xi32>], vector<16xf32>,
      %mul3A_140 = arith.mulf %gather3A_138, %gather3A_139 : vector<16xf32>
      %add3A_141 = arith.addf %add3A_132, %mul3A_140 : vector<16xf32>
      %broadcast_in_dim3A_142 = arith.constant 1 : i32
      %broadcast_in_dim3A_143 = vector.broadcast %broadcast_in_dim3A_142 : i32 to vector<16xi32>
      %broadcast_in_dim3A_144 = arith.constant 4 : i32
      %broadcast_in_dim3A_145 = vector.broadcast %broadcast_in_dim3A_144 : i32 to vector<16xi32>
      %add3A_146 = arith.addi %broadcast_in_dim3A_145, %shift_right_logical3A_6 : vector<16xi32>
      %gather3A_147 = tpu.vector_load_idx %arg9[%add3A_64, %and3A_4, %broadcast_in_dim3A_143, %add3A_146, %and3A_106] : memref<4x4x4x8x128xf32, #tpu.memory_space<vmem>>[vector<16xi32>, vector<16xi32>, vector<16xi32>, vector<16xi32>, vector<16xi32>], vector<16xf32>,
      %gather3A_148 = tpu.vector_load_idx %arg10[%add3A_68, %and3A_4, %broadcast_in_dim3A_143, %add3A_146, %and3A_112] : memref<3x4x4x8x128xf32, #tpu.memory_space<vmem>>[vector<16xi32>, vector<16xi32>, vector<16xi32>, vector<16xi32>, vector<16xi32>], vector<16xf32>,
      %mul3A_149 = arith.mulf %gather3A_147, %gather3A_148 : vector<16xf32>
      %add3A_150 = arith.addf %add3A_141, %mul3A_149 : vector<16xf32>
      %broadcast_in_dim3A_151 = arith.constant 2 : i32
      %broadcast_in_dim3A_152 = vector.broadcast %broadcast_in_dim3A_151 : i32 to vector<16xi32>
      %broadcast_in_dim3A_153 = arith.constant 0 : i32
      %broadcast_in_dim3A_154 = vector.broadcast %broadcast_in_dim3A_153 : i32 to vector<16xi32>
      %add3A_155 = arith.addi %broadcast_in_dim3A_154, %shift_right_logical3A_6 : vector<16xi32>
      %gather3A_156 = tpu.vector_load_idx %arg9[%add3A_64, %and3A_4, %broadcast_in_dim3A_152, %add3A_155, %and3A_106] : memref<4x4x4x8x128xf32, #tpu.memory_space<vmem>>[vector<16xi32>, vector<16xi32>, vector<16xi32>, vector<16xi32>, vector<16xi32>], vector<16xf32>,
      %gather3A_157 = tpu.vector_load_idx %arg10[%add3A_68, %and3A_4, %broadcast_in_dim3A_152, %add3A_155, %and3A_112] : memref<3x4x4x8x128xf32, #tpu.memory_space<vmem>>[vector<16xi32>, vector<16xi32>, vector<16xi32>, vector<16xi32>, vector<16xi32>], vector<16xf32>,
      %mul3A_158 = arith.mulf %gather3A_156, %gather3A_157 : vector<16xf32>
      %add3A_159 = arith.addf %add3A_150, %mul3A_158 : vector<16xf32>
      %broadcast_in_dim3A_160 = arith.constant 2 : i32
      %broadcast_in_dim3A_161 = vector.broadcast %broadcast_in_dim3A_160 : i32 to vector<16xi32>
      %broadcast_in_dim3A_162 = arith.constant 4 : i32
      %broadcast_in_dim3A_163 = vector.broadcast %broadcast_in_dim3A_162 : i32 to vector<16xi32>
      %add3A_164 = arith.addi %broadcast_in_dim3A_163, %shift_right_logical3A_6 : vector<16xi32>
      %gather3A_165 = tpu.vector_load_idx %arg9[%add3A_64, %and3A_4, %broadcast_in_dim3A_161, %add3A_164, %and3A_106] : memref<4x4x4x8x128xf32, #tpu.memory_space<vmem>>[vector<16xi32>, vector<16xi32>, vector<16xi32>, vector<16xi32>, vector<16xi32>], vector<16xf32>,
      %gather3A_166 = tpu.vector_load_idx %arg10[%add3A_68, %and3A_4, %broadcast_in_dim3A_161, %add3A_164, %and3A_112] : memref<3x4x4x8x128xf32, #tpu.memory_space<vmem>>[vector<16xi32>, vector<16xi32>, vector<16xi32>, vector<16xi32>, vector<16xi32>], vector<16xf32>,
      %mul3A_167 = arith.mulf %gather3A_165, %gather3A_166 : vector<16xf32>
      %add3A_168 = arith.addf %add3A_159, %mul3A_167 : vector<16xf32>
      %broadcast_in_dim3A_169 = arith.constant 3 : i32
      %broadcast_in_dim3A_170 = vector.broadcast %broadcast_in_dim3A_169 : i32 to vector<16xi32>
      %broadcast_in_dim3A_171 = arith.constant 0 : i32
      %broadcast_in_dim3A_172 = vector.broadcast %broadcast_in_dim3A_171 : i32 to vector<16xi32>
      %add3A_173 = arith.addi %broadcast_in_dim3A_172, %shift_right_logical3A_6 : vector<16xi32>
      %gather3A_174 = tpu.vector_load_idx %arg9[%add3A_64, %and3A_4, %broadcast_in_dim3A_170, %add3A_173, %and3A_106] : memref<4x4x4x8x128xf32, #tpu.memory_space<vmem>>[vector<16xi32>, vector<16xi32>, vector<16xi32>, vector<16xi32>, vector<16xi32>], vector<16xf32>,
      %gather3A_175 = tpu.vector_load_idx %arg10[%add3A_68, %and3A_4, %broadcast_in_dim3A_170, %add3A_173, %and3A_112] : memref<3x4x4x8x128xf32, #tpu.memory_space<vmem>>[vector<16xi32>, vector<16xi32>, vector<16xi32>, vector<16xi32>, vector<16xi32>], vector<16xf32>,
      %mul3A_176 = arith.mulf %gather3A_174, %gather3A_175 : vector<16xf32>
      %add3A_177 = arith.addf %add3A_168, %mul3A_176 : vector<16xf32>
      %broadcast_in_dim3A_178 = arith.constant 3 : i32
      %broadcast_in_dim3A_179 = vector.broadcast %broadcast_in_dim3A_178 : i32 to vector<16xi32>
      %broadcast_in_dim3A_180 = arith.constant 4 : i32
      %broadcast_in_dim3A_181 = vector.broadcast %broadcast_in_dim3A_180 : i32 to vector<16xi32>
      %add3A_182 = arith.addi %broadcast_in_dim3A_181, %shift_right_logical3A_6 : vector<16xi32>
      %gather3A_183 = tpu.vector_load_idx %arg9[%add3A_64, %and3A_4, %broadcast_in_dim3A_179, %add3A_182, %and3A_106] : memref<4x4x4x8x128xf32, #tpu.memory_space<vmem>>[vector<16xi32>, vector<16xi32>, vector<16xi32>, vector<16xi32>, vector<16xi32>], vector<16xf32>,
      %gather3A_184 = tpu.vector_load_idx %arg10[%add3A_68, %and3A_4, %broadcast_in_dim3A_179, %add3A_182, %and3A_112] : memref<3x4x4x8x128xf32, #tpu.memory_space<vmem>>[vector<16xi32>, vector<16xi32>, vector<16xi32>, vector<16xi32>, vector<16xi32>], vector<16xf32>,
      %mul3A_185 = arith.mulf %gather3A_183, %gather3A_184 : vector<16xf32>
      %add3A_186 = arith.addf %add3A_177, %mul3A_185 : vector<16xf32>
      %swap3A = arith.constant 0 : index
      %swap3A_187 = tpu.vector_load %arg11[%swap3A] {strides = array<i32>} : memref<16xf32, #tpu.memory_space<vmem>>, vector<16xf32>,
      tpu.vector_store %arg11[%swap3A], %add3A_186 {strides = array<i32>} : memref<16xf32, #tpu.memory_space<vmem>>, vector<16xf32>,
      %xor3A = arith.constant 8 : i32
      %xor3A_188 = vector.broadcast %xor3A : i32 to vector<16xi32>
      %xor3A_189 = arith.xori %iota3A, %xor3A_188 : vector<16xi32>
      %gather3A_190 = tpu.vector_load_idx %arg11[%xor3A_189] : memref<16xf32, #tpu.memory_space<vmem>>[vector<16xi32>], vector<16xf32>,
      %add3A_191 = arith.addf %add3A_186, %gather3A_190 : vector<16xf32>
      %swap3A_192 = arith.constant 0 : index
      %swap3A_193 = tpu.vector_load %arg11[%swap3A_192] {strides = array<i32>} : memref<16xf32, #tpu.memory_space<vmem>>, vector<16xf32>,
      tpu.vector_store %arg11[%swap3A_192], %add3A_191 {strides = array<i32>} : memref<16xf32, #tpu.memory_space<vmem>>, vector<16xf32>,
      %xor3A_194 = arith.constant 4 : i32
      %xor3A_195 = vector.broadcast %xor3A_194 : i32 to vector<16xi32>
      %xor3A_196 = arith.xori %iota3A, %xor3A_195 : vector<16xi32>
      %gather3A_197 = tpu.vector_load_idx %arg11[%xor3A_196] : memref<16xf32, #tpu.memory_space<vmem>>[vector<16xi32>], vector<16xf32>,
      %add3A_198 = arith.addf %add3A_191, %gather3A_197 : vector<16xf32>
      %swap3A_199 = arith.index_cast %mul3A_58 : i32 to index
      %swap3A_200 = tpu.vector_load %arg12[%swap3A_199] masked %eq3A_8 {strides = array<i32>} : memref<528xf32, #tpu.memory_space<vmem>>, vector<16xf32>, vector<16xi1>
      tpu.vector_store %arg12[%swap3A_199], %add3A_198 masked %eq3A_8 {strides = array<i32>} : memref<528xf32, #tpu.memory_space<vmem>>, vector<16xf32>, vector<16xi1>
      %add3A_201 = arith.constant 4 : i32
      %add3A_202 = arith.addi %scan3A_56, %add3A_201 : i32
      %lt3A = arith.constant 128 : i32
      %lt3A_203 = arith.cmpi slt, %add3A_202, %lt3A : i32
      %eq3A_204 = arith.constant 0 : i32
      %eq3A_205 = arith.cmpi eq, %and3A_60, %eq3A_204 : i32
      %and3A_206 = arith.andi %lt3A_203, %eq3A_205 : i1
      %convert_element_type3A_207 = arith.extui %and3A_206 : i1 to i32
      %cond3A_208 = arith.constant 0 : i32
      %cond3A_209 = arith.cmpi ne, %convert_element_type3A_207, %cond3A_208 : i32
      scf.if %cond3A_209 {
        %add3A_270 = arith.constant 4 : i32
        %add3A_271 = arith.addi %scan3A_56, %add3A_270 : i32
        %scan3A_272 = arith.constant 0 : i32
        %scan3A_273 = arith.constant 0 : i32
        %scan3A_274 = arith.constant 4 : i32
        %scan3A_275 = arith.addi %scan3A_273, %scan3A_274 : i32
        %scan3A_276 = arith.constant 1 : i32
        scf.for %scan3A_278 = %scan3A_273 to %scan3A_275 step %scan3A_276  : i32 {
          %mul3A_279 = arith.constant 4 : i32
          %mul3A_280 = arith.muli %add3A_271, %mul3A_279 : i32
          %add3A_281 = arith.addi %mul3A_280, %scan3A_278 : i32
          %get3A = arith.index_cast %add3A_281 : i32 to index
          %get3A_282 = tpu.vector_load %arg7[%get3A] {strides = array<i32>} : memref<528xi32, #tpu.memory_space<vmem>>, vector<16xi32>,
          %slice3A = vector.extract_strided_slice %get3A_282 {offsets = [0], sizes = [1], strides = [1]} : vector<16xi32> to vector<1xi32>
          %squeeze3A = vector.extract %slice3A[0] : i32 from vector<1xi32>
          %and3A_283 = arith.constant -128 : i32
          %and3A_284 = arith.andi %squeeze3A, %and3A_283 : i32
          %multiple_of3A = tpu.assume_multiple %and3A_284, 128 : i32
          %dma_start3A = arith.constant 0 : i32
          %dma_start3A_285 = arith.constant 0 : i32
          %dma_start3A_286 = arith.constant 0 : i32
          %dma_start3A_287 = arith.constant 0 : i32
          %dma_start3A_288 = tpu.memref_slice %arg9[%dma_start3A, %scan3A_278, %dma_start3A_285, %dma_start3A_286, %dma_start3A_287] : memref<4x4x4x8x128xf32, #tpu.memory_space<vmem>> -> memref<1x1x4x8x128xf32, #tpu.memory_space<vmem>>
          %dma_start3A_289 = tpu.memref_squeeze %dma_start3A_288 : memref<1x1x4x8x128xf32, #tpu.memory_space<vmem>> -> memref<4x8x128xf32, #tpu.memory_space<vmem>>
          %dma_start3A_290 = arith.constant 0 : i32
          %dma_start3A_291 = arith.constant 0 : i32
          %dma_start3A_292 = tpu.memref_slice %arg4[%dma_start3A_290, %dma_start3A_291, %multiple_of3A] : memref<4x8x1000000xf32, #tpu.memory_space<hbm>> -> memref<4x8x128xf32, #tpu.memory_space<hbm>>
          %dma_start3A_293 = arith.constant 0 : i32
          %dma_start3A_294 = arith.constant 0 : i32
          %dma_start3A_295 = arith.constant 0 : i32
          %dma_start3A_296 = tpu.memref_slice %arg9[%dma_start3A, %scan3A_278, %dma_start3A_293, %dma_start3A_294, %dma_start3A_295] : memref<4x4x4x8x128xf32, #tpu.memory_space<vmem>> -> memref<1x1x4x8x128xf32, #tpu.memory_space<vmem>>
          %dma_start3A_297 = tpu.memref_squeeze %dma_start3A_296 : memref<1x1x4x8x128xf32, #tpu.memory_space<vmem>> -> memref<4x8x128xf32, #tpu.memory_space<vmem>>
          %dma_start3A_298 = arith.constant 0 : i32
          %dma_start3A_299 = arith.constant 0 : i32
          %dma_start3A_300 = tpu.memref_slice %arg4[%dma_start3A_298, %dma_start3A_299, %multiple_of3A] : memref<4x8x1000000xf32, #tpu.memory_space<hbm>> -> memref<4x8x128xf32, #tpu.memory_space<hbm>>
          tpu.enqueue_dma source(%dma_start3A_300 : memref<4x8x128xf32, #tpu.memory_space<hbm>>) target(%dma_start3A_297 : memref<4x8x128xf32, #tpu.memory_space<vmem>>) target_semaphore(%arg13 : memref<!tpu.dma_semaphore, #tpu.memory_space<semaphore_mem>>)
        }
        %scan3A_277 = arith.constant 4 : i32
      } else {
      }
      %add3A_210 = arith.constant 4 : i32
      %add3A_211 = arith.addi %scan3A_56, %add3A_210 : i32
      %lt3A_212 = arith.constant 128 : i32
      %lt3A_213 = arith.cmpi slt, %add3A_211, %lt3A_212 : i32
      %eq3A_214 = arith.constant 1 : i32
      %eq3A_215 = arith.cmpi eq, %and3A_60, %eq3A_214 : i32
      %and3A_216 = arith.andi %lt3A_213, %eq3A_215 : i1
      %convert_element_type3A_217 = arith.extui %and3A_216 : i1 to i32
      %cond3A_218 = arith.constant 0 : i32
      %cond3A_219 = arith.cmpi ne, %convert_element_type3A_217, %cond3A_218 : i32
      scf.if %cond3A_219 {
        %add3A_270 = arith.constant 4 : i32
        %add3A_271 = arith.addi %scan3A_56, %add3A_270 : i32
        %scan3A_272 = arith.constant 0 : i32
        %scan3A_273 = arith.constant 0 : i32
        %scan3A_274 = arith.constant 4 : i32
        %scan3A_275 = arith.addi %scan3A_273, %scan3A_274 : i32
        %scan3A_276 = arith.constant 1 : i32
        scf.for %scan3A_278 = %scan3A_273 to %scan3A_275 step %scan3A_276  : i32 {
          %mul3A_279 = arith.constant 4 : i32
          %mul3A_280 = arith.muli %add3A_271, %mul3A_279 : i32
          %add3A_281 = arith.addi %mul3A_280, %scan3A_278 : i32
          %get3A = arith.index_cast %add3A_281 : i32 to index
          %get3A_282 = tpu.vector_load %arg7[%get3A] {strides = array<i32>} : memref<528xi32, #tpu.memory_space<vmem>>, vector<16xi32>,
          %slice3A = vector.extract_strided_slice %get3A_282 {offsets = [0], sizes = [1], strides = [1]} : vector<16xi32> to vector<1xi32>
          %squeeze3A = vector.extract %slice3A[0] : i32 from vector<1xi32>
          %and3A_283 = arith.constant -128 : i32
          %and3A_284 = arith.andi %squeeze3A, %and3A_283 : i32
          %multiple_of3A = tpu.assume_multiple %and3A_284, 128 : i32
          %dma_start3A = arith.constant 1 : i32
          %dma_start3A_285 = arith.constant 0 : i32
          %dma_start3A_286 = arith.constant 0 : i32
          %dma_start3A_287 = arith.constant 0 : i32
          %dma_start3A_288 = tpu.memref_slice %arg9[%dma_start3A, %scan3A_278, %dma_start3A_285, %dma_start3A_286, %dma_start3A_287] : memref<4x4x4x8x128xf32, #tpu.memory_space<vmem>> -> memref<1x1x4x8x128xf32, #tpu.memory_space<vmem>>
          %dma_start3A_289 = tpu.memref_squeeze %dma_start3A_288 : memref<1x1x4x8x128xf32, #tpu.memory_space<vmem>> -> memref<4x8x128xf32, #tpu.memory_space<vmem>>
          %dma_start3A_290 = arith.constant 0 : i32
          %dma_start3A_291 = arith.constant 0 : i32
          %dma_start3A_292 = tpu.memref_slice %arg4[%dma_start3A_290, %dma_start3A_291, %multiple_of3A] : memref<4x8x1000000xf32, #tpu.memory_space<hbm>> -> memref<4x8x128xf32, #tpu.memory_space<hbm>>
          %dma_start3A_293 = arith.constant 0 : i32
          %dma_start3A_294 = arith.constant 0 : i32
          %dma_start3A_295 = arith.constant 0 : i32
          %dma_start3A_296 = tpu.memref_slice %arg9[%dma_start3A, %scan3A_278, %dma_start3A_293, %dma_start3A_294, %dma_start3A_295] : memref<4x4x4x8x128xf32, #tpu.memory_space<vmem>> -> memref<1x1x4x8x128xf32, #tpu.memory_space<vmem>>
          %dma_start3A_297 = tpu.memref_squeeze %dma_start3A_296 : memref<1x1x4x8x128xf32, #tpu.memory_space<vmem>> -> memref<4x8x128xf32, #tpu.memory_space<vmem>>
          %dma_start3A_298 = arith.constant 0 : i32
          %dma_start3A_299 = arith.constant 0 : i32
          %dma_start3A_300 = tpu.memref_slice %arg4[%dma_start3A_298, %dma_start3A_299, %multiple_of3A] : memref<4x8x1000000xf32, #tpu.memory_space<hbm>> -> memref<4x8x128xf32, #tpu.memory_space<hbm>>
          tpu.enqueue_dma source(%dma_start3A_300 : memref<4x8x128xf32, #tpu.memory_space<hbm>>) target(%dma_start3A_297 : memref<4x8x128xf32, #tpu.memory_space<vmem>>) target_semaphore(%arg14 : memref<!tpu.dma_semaphore, #tpu.memory_space<semaphore_mem>>)
        }
        %scan3A_277 = arith.constant 4 : i32
      } else {
      }
      %add3A_220 = arith.constant 4 : i32
      %add3A_221 = arith.addi %scan3A_56, %add3A_220 : i32
      %lt3A_222 = arith.constant 128 : i32
      %lt3A_223 = arith.cmpi slt, %add3A_221, %lt3A_222 : i32
      %eq3A_224 = arith.constant 2 : i32
      %eq3A_225 = arith.cmpi eq, %and3A_60, %eq3A_224 : i32
      %and3A_226 = arith.andi %lt3A_223, %eq3A_225 : i1
      %convert_element_type3A_227 = arith.extui %and3A_226 : i1 to i32
      %cond3A_228 = arith.constant 0 : i32
      %cond3A_229 = arith.cmpi ne, %convert_element_type3A_227, %cond3A_228 : i32
      scf.if %cond3A_229 {
        %add3A_270 = arith.constant 4 : i32
        %add3A_271 = arith.addi %scan3A_56, %add3A_270 : i32
        %scan3A_272 = arith.constant 0 : i32
        %scan3A_273 = arith.constant 0 : i32
        %scan3A_274 = arith.constant 4 : i32
        %scan3A_275 = arith.addi %scan3A_273, %scan3A_274 : i32
        %scan3A_276 = arith.constant 1 : i32
        scf.for %scan3A_278 = %scan3A_273 to %scan3A_275 step %scan3A_276  : i32 {
          %mul3A_279 = arith.constant 4 : i32
          %mul3A_280 = arith.muli %add3A_271, %mul3A_279 : i32
          %add3A_281 = arith.addi %mul3A_280, %scan3A_278 : i32
          %get3A = arith.index_cast %add3A_281 : i32 to index
          %get3A_282 = tpu.vector_load %arg7[%get3A] {strides = array<i32>} : memref<528xi32, #tpu.memory_space<vmem>>, vector<16xi32>,
          %slice3A = vector.extract_strided_slice %get3A_282 {offsets = [0], sizes = [1], strides = [1]} : vector<16xi32> to vector<1xi32>
          %squeeze3A = vector.extract %slice3A[0] : i32 from vector<1xi32>
          %and3A_283 = arith.constant -128 : i32
          %and3A_284 = arith.andi %squeeze3A, %and3A_283 : i32
          %multiple_of3A = tpu.assume_multiple %and3A_284, 128 : i32
          %dma_start3A = arith.constant 2 : i32
          %dma_start3A_285 = arith.constant 0 : i32
          %dma_start3A_286 = arith.constant 0 : i32
          %dma_start3A_287 = arith.constant 0 : i32
          %dma_start3A_288 = tpu.memref_slice %arg9[%dma_start3A, %scan3A_278, %dma_start3A_285, %dma_start3A_286, %dma_start3A_287] : memref<4x4x4x8x128xf32, #tpu.memory_space<vmem>> -> memref<1x1x4x8x128xf32, #tpu.memory_space<vmem>>
          %dma_start3A_289 = tpu.memref_squeeze %dma_start3A_288 : memref<1x1x4x8x128xf32, #tpu.memory_space<vmem>> -> memref<4x8x128xf32, #tpu.memory_space<vmem>>
          %dma_start3A_290 = arith.constant 0 : i32
          %dma_start3A_291 = arith.constant 0 : i32
          %dma_start3A_292 = tpu.memref_slice %arg4[%dma_start3A_290, %dma_start3A_291, %multiple_of3A] : memref<4x8x1000000xf32, #tpu.memory_space<hbm>> -> memref<4x8x128xf32, #tpu.memory_space<hbm>>
          %dma_start3A_293 = arith.constant 0 : i32
          %dma_start3A_294 = arith.constant 0 : i32
          %dma_start3A_295 = arith.constant 0 : i32
          %dma_start3A_296 = tpu.memref_slice %arg9[%dma_start3A, %scan3A_278, %dma_start3A_293, %dma_start3A_294, %dma_start3A_295] : memref<4x4x4x8x128xf32, #tpu.memory_space<vmem>> -> memref<1x1x4x8x128xf32, #tpu.memory_space<vmem>>
          %dma_start3A_297 = tpu.memref_squeeze %dma_start3A_296 : memref<1x1x4x8x128xf32, #tpu.memory_space<vmem>> -> memref<4x8x128xf32, #tpu.memory_space<vmem>>
          %dma_start3A_298 = arith.constant 0 : i32
          %dma_start3A_299 = arith.constant 0 : i32
          %dma_start3A_300 = tpu.memref_slice %arg4[%dma_start3A_298, %dma_start3A_299, %multiple_of3A] : memref<4x8x1000000xf32, #tpu.memory_space<hbm>> -> memref<4x8x128xf32, #tpu.memory_space<hbm>>
          tpu.enqueue_dma source(%dma_start3A_300 : memref<4x8x128xf32, #tpu.memory_space<hbm>>) target(%dma_start3A_297 : memref<4x8x128xf32, #tpu.memory_space<vmem>>) target_semaphore(%arg15 : memref<!tpu.dma_semaphore, #tpu.memory_space<semaphore_mem>>)
        }
        %scan3A_277 = arith.constant 4 : i32
      } else {
      }
      %add3A_230 = arith.constant 4 : i32
      %add3A_231 = arith.addi %scan3A_56, %add3A_230 : i32
      %lt3A_232 = arith.constant 128 : i32
      %lt3A_233 = arith.cmpi slt, %add3A_231, %lt3A_232 : i32
      %eq3A_234 = arith.constant 3 : i32
      %eq3A_235 = arith.cmpi eq, %and3A_60, %eq3A_234 : i32
      %and3A_236 = arith.andi %lt3A_233, %eq3A_235 : i1
      %convert_element_type3A_237 = arith.extui %and3A_236 : i1 to i32
      %cond3A_238 = arith.constant 0 : i32
      %cond3A_239 = arith.cmpi ne, %convert_element_type3A_237, %cond3A_238 : i32
      scf.if %cond3A_239 {
        %add3A_270 = arith.constant 4 : i32
        %add3A_271 = arith.addi %scan3A_56, %add3A_270 : i32
        %scan3A_272 = arith.constant 0 : i32
        %scan3A_273 = arith.constant 0 : i32
        %scan3A_274 = arith.constant 4 : i32
        %scan3A_275 = arith.addi %scan3A_273, %scan3A_274 : i32
        %scan3A_276 = arith.constant 1 : i32
        scf.for %scan3A_278 = %scan3A_273 to %scan3A_275 step %scan3A_276  : i32 {
          %mul3A_279 = arith.constant 4 : i32
          %mul3A_280 = arith.muli %add3A_271, %mul3A_279 : i32
          %add3A_281 = arith.addi %mul3A_280, %scan3A_278 : i32
          %get3A = arith.index_cast %add3A_281 : i32 to index
          %get3A_282 = tpu.vector_load %arg7[%get3A] {strides = array<i32>} : memref<528xi32, #tpu.memory_space<vmem>>, vector<16xi32>,
          %slice3A = vector.extract_strided_slice %get3A_282 {offsets = [0], sizes = [1], strides = [1]} : vector<16xi32> to vector<1xi32>
          %squeeze3A = vector.extract %slice3A[0] : i32 from vector<1xi32>
          %and3A_283 = arith.constant -128 : i32
          %and3A_284 = arith.andi %squeeze3A, %and3A_283 : i32
          %multiple_of3A = tpu.assume_multiple %and3A_284, 128 : i32
          %dma_start3A = arith.constant 3 : i32
          %dma_start3A_285 = arith.constant 0 : i32
          %dma_start3A_286 = arith.constant 0 : i32
          %dma_start3A_287 = arith.constant 0 : i32
          %dma_start3A_288 = tpu.memref_slice %arg9[%dma_start3A, %scan3A_278, %dma_start3A_285, %dma_start3A_286, %dma_start3A_287] : memref<4x4x4x8x128xf32, #tpu.memory_space<vmem>> -> memref<1x1x4x8x128xf32, #tpu.memory_space<vmem>>
          %dma_start3A_289 = tpu.memref_squeeze %dma_start3A_288 : memref<1x1x4x8x128xf32, #tpu.memory_space<vmem>> -> memref<4x8x128xf32, #tpu.memory_space<vmem>>
          %dma_start3A_290 = arith.constant 0 : i32
          %dma_start3A_291 = arith.constant 0 : i32
          %dma_start3A_292 = tpu.memref_slice %arg4[%dma_start3A_290, %dma_start3A_291, %multiple_of3A] : memref<4x8x1000000xf32, #tpu.memory_space<hbm>> -> memref<4x8x128xf32, #tpu.memory_space<hbm>>
          %dma_start3A_293 = arith.constant 0 : i32
          %dma_start3A_294 = arith.constant 0 : i32
          %dma_start3A_295 = arith.constant 0 : i32
          %dma_start3A_296 = tpu.memref_slice %arg9[%dma_start3A, %scan3A_278, %dma_start3A_293, %dma_start3A_294, %dma_start3A_295] : memref<4x4x4x8x128xf32, #tpu.memory_space<vmem>> -> memref<1x1x4x8x128xf32, #tpu.memory_space<vmem>>
          %dma_start3A_297 = tpu.memref_squeeze %dma_start3A_296 : memref<1x1x4x8x128xf32, #tpu.memory_space<vmem>> -> memref<4x8x128xf32, #tpu.memory_space<vmem>>
          %dma_start3A_298 = arith.constant 0 : i32
          %dma_start3A_299 = arith.constant 0 : i32
          %dma_start3A_300 = tpu.memref_slice %arg4[%dma_start3A_298, %dma_start3A_299, %multiple_of3A] : memref<4x8x1000000xf32, #tpu.memory_space<hbm>> -> memref<4x8x128xf32, #tpu.memory_space<hbm>>
          tpu.enqueue_dma source(%dma_start3A_300 : memref<4x8x128xf32, #tpu.memory_space<hbm>>) target(%dma_start3A_297 : memref<4x8x128xf32, #tpu.memory_space<vmem>>) target_semaphore(%arg16 : memref<!tpu.dma_semaphore, #tpu.memory_space<semaphore_mem>>)
        }
        %scan3A_277 = arith.constant 4 : i32
      } else {
      }
      %add3A_240 = arith.constant 3 : i32
      %add3A_241 = arith.addi %scan3A_56, %add3A_240 : i32
      %lt3A_242 = arith.constant 128 : i32
      %lt3A_243 = arith.cmpi slt, %add3A_241, %lt3A_242 : i32
      %eq3A_244 = arith.constant 0 : i32
      %eq3A_245 = arith.cmpi eq, %rem3A_61, %eq3A_244 : i32
      %and3A_246 = arith.andi %lt3A_243, %eq3A_245 : i1
      %convert_element_type3A_247 = arith.extui %and3A_246 : i1 to i32
      %cond3A_248 = arith.constant 0 : i32
      %cond3A_249 = arith.cmpi ne, %convert_element_type3A_247, %cond3A_248 : i32
      scf.if %cond3A_249 {
        %add3A_270 = arith.constant 3 : i32
        %add3A_271 = arith.addi %scan3A_56, %add3A_270 : i32
        %scan3A_272 = arith.constant 0 : i32
        %scan3A_273 = arith.constant 0 : i32
        %scan3A_274 = arith.constant 4 : i32
        %scan3A_275 = arith.addi %scan3A_273, %scan3A_274 : i32
        %scan3A_276 = arith.constant 1 : i32
        scf.for %scan3A_278 = %scan3A_273 to %scan3A_275 step %scan3A_276  : i32 {
          %mul3A_279 = arith.constant 4 : i32
          %mul3A_280 = arith.muli %add3A_271, %mul3A_279 : i32
          %add3A_281 = arith.addi %mul3A_280, %scan3A_278 : i32
          %get3A = arith.index_cast %add3A_281 : i32 to index
          %get3A_282 = tpu.vector_load %arg8[%get3A] {strides = array<i32>} : memref<528xi32, #tpu.memory_space<vmem>>, vector<16xi32>,
          %slice3A = vector.extract_strided_slice %get3A_282 {offsets = [0], sizes = [1], strides = [1]} : vector<16xi32> to vector<1xi32>
          %squeeze3A = vector.extract %slice3A[0] : i32 from vector<1xi32>
          %and3A_283 = arith.constant -128 : i32
          %and3A_284 = arith.andi %squeeze3A, %and3A_283 : i32
          %multiple_of3A = tpu.assume_multiple %and3A_284, 128 : i32
          %dma_start3A = arith.constant 0 : i32
          %dma_start3A_285 = arith.constant 0 : i32
          %dma_start3A_286 = arith.constant 0 : i32
          %dma_start3A_287 = arith.constant 0 : i32
          %dma_start3A_288 = tpu.memref_slice %arg10[%dma_start3A, %scan3A_278, %dma_start3A_285, %dma_start3A_286, %dma_start3A_287] : memref<3x4x4x8x128xf32, #tpu.memory_space<vmem>> -> memref<1x1x4x8x128xf32, #tpu.memory_space<vmem>>
          %dma_start3A_289 = tpu.memref_squeeze %dma_start3A_288 : memref<1x1x4x8x128xf32, #tpu.memory_space<vmem>> -> memref<4x8x128xf32, #tpu.memory_space<vmem>>
          %dma_start3A_290 = arith.constant 0 : i32
          %dma_start3A_291 = arith.constant 0 : i32
          %dma_start3A_292 = tpu.memref_slice %arg5[%dma_start3A_290, %dma_start3A_291, %multiple_of3A] : memref<4x8x1000000xf32, #tpu.memory_space<hbm>> -> memref<4x8x128xf32, #tpu.memory_space<hbm>>
          %dma_start3A_293 = arith.constant 0 : i32
          %dma_start3A_294 = arith.constant 0 : i32
          %dma_start3A_295 = arith.constant 0 : i32
          %dma_start3A_296 = tpu.memref_slice %arg10[%dma_start3A, %scan3A_278, %dma_start3A_293, %dma_start3A_294, %dma_start3A_295] : memref<3x4x4x8x128xf32, #tpu.memory_space<vmem>> -> memref<1x1x4x8x128xf32, #tpu.memory_space<vmem>>
          %dma_start3A_297 = tpu.memref_squeeze %dma_start3A_296 : memref<1x1x4x8x128xf32, #tpu.memory_space<vmem>> -> memref<4x8x128xf32, #tpu.memory_space<vmem>>
          %dma_start3A_298 = arith.constant 0 : i32
          %dma_start3A_299 = arith.constant 0 : i32
          %dma_start3A_300 = tpu.memref_slice %arg5[%dma_start3A_298, %dma_start3A_299, %multiple_of3A] : memref<4x8x1000000xf32, #tpu.memory_space<hbm>> -> memref<4x8x128xf32, #tpu.memory_space<hbm>>
          tpu.enqueue_dma source(%dma_start3A_300 : memref<4x8x128xf32, #tpu.memory_space<hbm>>) target(%dma_start3A_297 : memref<4x8x128xf32, #tpu.memory_space<vmem>>) target_semaphore(%arg17 : memref<!tpu.dma_semaphore, #tpu.memory_space<semaphore_mem>>)
        }
        %scan3A_277 = arith.constant 4 : i32
      } else {
      }
      %add3A_250 = arith.constant 3 : i32
      %add3A_251 = arith.addi %scan3A_56, %add3A_250 : i32
      %lt3A_252 = arith.constant 128 : i32
      %lt3A_253 = arith.cmpi slt, %add3A_251, %lt3A_252 : i32
      %eq3A_254 = arith.constant 1 : i32
      %eq3A_255 = arith.cmpi eq, %rem3A_61, %eq3A_254 : i32
      %and3A_256 = arith.andi %lt3A_253, %eq3A_255 : i1
      %convert_element_type3A_257 = arith.extui %and3A_256 : i1 to i32
      %cond3A_258 = arith.constant 0 : i32
      %cond3A_259 = arith.cmpi ne, %convert_element_type3A_257, %cond3A_258 : i32
      scf.if %cond3A_259 {
        %add3A_270 = arith.constant 3 : i32
        %add3A_271 = arith.addi %scan3A_56, %add3A_270 : i32
        %scan3A_272 = arith.constant 0 : i32
        %scan3A_273 = arith.constant 0 : i32
        %scan3A_274 = arith.constant 4 : i32
        %scan3A_275 = arith.addi %scan3A_273, %scan3A_274 : i32
        %scan3A_276 = arith.constant 1 : i32
        scf.for %scan3A_278 = %scan3A_273 to %scan3A_275 step %scan3A_276  : i32 {
          %mul3A_279 = arith.constant 4 : i32
          %mul3A_280 = arith.muli %add3A_271, %mul3A_279 : i32
          %add3A_281 = arith.addi %mul3A_280, %scan3A_278 : i32
          %get3A = arith.index_cast %add3A_281 : i32 to index
          %get3A_282 = tpu.vector_load %arg8[%get3A] {strides = array<i32>} : memref<528xi32, #tpu.memory_space<vmem>>, vector<16xi32>,
          %slice3A = vector.extract_strided_slice %get3A_282 {offsets = [0], sizes = [1], strides = [1]} : vector<16xi32> to vector<1xi32>
          %squeeze3A = vector.extract %slice3A[0] : i32 from vector<1xi32>
          %and3A_283 = arith.constant -128 : i32
          %and3A_284 = arith.andi %squeeze3A, %and3A_283 : i32
          %multiple_of3A = tpu.assume_multiple %and3A_284, 128 : i32
          %dma_start3A = arith.constant 1 : i32
          %dma_start3A_285 = arith.constant 0 : i32
          %dma_start3A_286 = arith.constant 0 : i32
          %dma_start3A_287 = arith.constant 0 : i32
          %dma_start3A_288 = tpu.memref_slice %arg10[%dma_start3A, %scan3A_278, %dma_start3A_285, %dma_start3A_286, %dma_start3A_287] : memref<3x4x4x8x128xf32, #tpu.memory_space<vmem>> -> memref<1x1x4x8x128xf32, #tpu.memory_space<vmem>>
          %dma_start3A_289 = tpu.memref_squeeze %dma_start3A_288 : memref<1x1x4x8x128xf32, #tpu.memory_space<vmem>> -> memref<4x8x128xf32, #tpu.memory_space<vmem>>
          %dma_start3A_290 = arith.constant 0 : i32
          %dma_start3A_291 = arith.constant 0 : i32
          %dma_start3A_292 = tpu.memref_slice %arg5[%dma_start3A_290, %dma_start3A_291, %multiple_of3A] : memref<4x8x1000000xf32, #tpu.memory_space<hbm>> -> memref<4x8x128xf32, #tpu.memory_space<hbm>>
          %dma_start3A_293 = arith.constant 0 : i32
          %dma_start3A_294 = arith.constant 0 : i32
          %dma_start3A_295 = arith.constant 0 : i32
          %dma_start3A_296 = tpu.memref_slice %arg10[%dma_start3A, %scan3A_278, %dma_start3A_293, %dma_start3A_294, %dma_start3A_295] : memref<3x4x4x8x128xf32, #tpu.memory_space<vmem>> -> memref<1x1x4x8x128xf32, #tpu.memory_space<vmem>>
          %dma_start3A_297 = tpu.memref_squeeze %dma_start3A_296 : memref<1x1x4x8x128xf32, #tpu.memory_space<vmem>> -> memref<4x8x128xf32, #tpu.memory_space<vmem>>
          %dma_start3A_298 = arith.constant 0 : i32
          %dma_start3A_299 = arith.constant 0 : i32
          %dma_start3A_300 = tpu.memref_slice %arg5[%dma_start3A_298, %dma_start3A_299, %multiple_of3A] : memref<4x8x1000000xf32, #tpu.memory_space<hbm>> -> memref<4x8x128xf32, #tpu.memory_space<hbm>>
          tpu.enqueue_dma source(%dma_start3A_300 : memref<4x8x128xf32, #tpu.memory_space<hbm>>) target(%dma_start3A_297 : memref<4x8x128xf32, #tpu.memory_space<vmem>>) target_semaphore(%arg18 : memref<!tpu.dma_semaphore, #tpu.memory_space<semaphore_mem>>)
        }
        %scan3A_277 = arith.constant 4 : i32
      } else {
      }
      %add3A_260 = arith.constant 3 : i32
      %add3A_261 = arith.addi %scan3A_56, %add3A_260 : i32
      %lt3A_262 = arith.constant 128 : i32
      %lt3A_263 = arith.cmpi slt, %add3A_261, %lt3A_262 : i32
      %eq3A_264 = arith.constant 2 : i32
      %eq3A_265 = arith.cmpi eq, %rem3A_61, %eq3A_264 : i32
      %and3A_266 = arith.andi %lt3A_263, %eq3A_265 : i1
      %convert_element_type3A_267 = arith.extui %and3A_266 : i1 to i32
      %cond3A_268 = arith.constant 0 : i32
      %cond3A_269 = arith.cmpi ne, %convert_element_type3A_267, %cond3A_268 : i32
      scf.if %cond3A_269 {
        %add3A_270 = arith.constant 3 : i32
        %add3A_271 = arith.addi %scan3A_56, %add3A_270 : i32
        %scan3A_272 = arith.constant 0 : i32
        %scan3A_273 = arith.constant 0 : i32
        %scan3A_274 = arith.constant 4 : i32
        %scan3A_275 = arith.addi %scan3A_273, %scan3A_274 : i32
        %scan3A_276 = arith.constant 1 : i32
        scf.for %scan3A_278 = %scan3A_273 to %scan3A_275 step %scan3A_276  : i32 {
          %mul3A_279 = arith.constant 4 : i32
          %mul3A_280 = arith.muli %add3A_271, %mul3A_279 : i32
          %add3A_281 = arith.addi %mul3A_280, %scan3A_278 : i32
          %get3A = arith.index_cast %add3A_281 : i32 to index
          %get3A_282 = tpu.vector_load %arg8[%get3A] {strides = array<i32>} : memref<528xi32, #tpu.memory_space<vmem>>, vector<16xi32>,
          %slice3A = vector.extract_strided_slice %get3A_282 {offsets = [0], sizes = [1], strides = [1]} : vector<16xi32> to vector<1xi32>
          %squeeze3A = vector.extract %slice3A[0] : i32 from vector<1xi32>
          %and3A_283 = arith.constant -128 : i32
          %and3A_284 = arith.andi %squeeze3A, %and3A_283 : i32
          %multiple_of3A = tpu.assume_multiple %and3A_284, 128 : i32
          %dma_start3A = arith.constant 2 : i32
          %dma_start3A_285 = arith.constant 0 : i32
          %dma_start3A_286 = arith.constant 0 : i32
          %dma_start3A_287 = arith.constant 0 : i32
          %dma_start3A_288 = tpu.memref_slice %arg10[%dma_start3A, %scan3A_278, %dma_start3A_285, %dma_start3A_286, %dma_start3A_287] : memref<3x4x4x8x128xf32, #tpu.memory_space<vmem>> -> memref<1x1x4x8x128xf32, #tpu.memory_space<vmem>>
          %dma_start3A_289 = tpu.memref_squeeze %dma_start3A_288 : memref<1x1x4x8x128xf32, #tpu.memory_space<vmem>> -> memref<4x8x128xf32, #tpu.memory_space<vmem>>
          %dma_start3A_290 = arith.constant 0 : i32
          %dma_start3A_291 = arith.constant 0 : i32
          %dma_start3A_292 = tpu.memref_slice %arg5[%dma_start3A_290, %dma_start3A_291, %multiple_of3A] : memref<4x8x1000000xf32, #tpu.memory_space<hbm>> -> memref<4x8x128xf32, #tpu.memory_space<hbm>>
          %dma_start3A_293 = arith.constant 0 : i32
          %dma_start3A_294 = arith.constant 0 : i32
          %dma_start3A_295 = arith.constant 0 : i32
          %dma_start3A_296 = tpu.memref_slice %arg10[%dma_start3A, %scan3A_278, %dma_start3A_293, %dma_start3A_294, %dma_start3A_295] : memref<3x4x4x8x128xf32, #tpu.memory_space<vmem>> -> memref<1x1x4x8x128xf32, #tpu.memory_space<vmem>>
          %dma_start3A_297 = tpu.memref_squeeze %dma_start3A_296 : memref<1x1x4x8x128xf32, #tpu.memory_space<vmem>> -> memref<4x8x128xf32, #tpu.memory_space<vmem>>
          %dma_start3A_298 = arith.constant 0 : i32
          %dma_start3A_299 = arith.constant 0 : i32
          %dma_start3A_300 = tpu.memref_slice %arg5[%dma_start3A_298, %dma_start3A_299, %multiple_of3A] : memref<4x8x1000000xf32, #tpu.memory_space<hbm>> -> memref<4x8x128xf32, #tpu.memory_space<hbm>>
          tpu.enqueue_dma source(%dma_start3A_300 : memref<4x8x128xf32, #tpu.memory_space<hbm>>) target(%dma_start3A_297 : memref<4x8x128xf32, #tpu.memory_space<vmem>>) target_semaphore(%arg19 : memref<!tpu.dma_semaphore, #tpu.memory_space<semaphore_mem>>)
        }
        %scan3A_277 = arith.constant 4 : i32
      } else {
      }
    }
    %scan3A_55 = arith.constant 128 : i32
    "tpu.region"() ({
      %run_scoped3A = tpu.sem_alloc : memref<!tpu.dma_semaphore, #tpu.memory_space<semaphore_mem>>
      %dma_start3A = arith.constant 0 : i32
      %dma_start3A_56 = tpu.memref_slice %arg12[%dma_start3A] : memref<528xf32, #tpu.memory_space<vmem>> -> memref<512xf32, #tpu.memory_space<vmem>>
      %dma_start3A_57 = tpu.memref_slice %arg6[%mul3A_2] : memref<16384xf32, #tpu.memory_space<hbm>> -> memref<512xf32, #tpu.memory_space<hbm>>
      %dma_start3A_58 = tpu.memref_slice %arg6[%mul3A_2] : memref<16384xf32, #tpu.memory_space<hbm>> -> memref<512xf32, #tpu.memory_space<hbm>>
      %dma_start3A_59 = arith.constant 0 : i32
      %dma_start3A_60 = tpu.memref_slice %arg12[%dma_start3A_59] : memref<528xf32, #tpu.memory_space<vmem>> -> memref<512xf32, #tpu.memory_space<vmem>>
      tpu.enqueue_dma source(%dma_start3A_60 : memref<512xf32, #tpu.memory_space<vmem>>) target(%dma_start3A_58 : memref<512xf32, #tpu.memory_space<hbm>>) target_semaphore(%run_scoped3A : memref<!tpu.dma_semaphore, #tpu.memory_space<semaphore_mem>>)
      %dma_wait3A = arith.constant 0 : i32
      %dma_wait3A_61 = tpu.memref_slice %arg12[%dma_wait3A] : memref<528xf32, #tpu.memory_space<vmem>> -> memref<512xf32, #tpu.memory_space<vmem>>
      %dma_wait3A_62 = tpu.memref_slice %arg6[%mul3A_2] : memref<16384xf32, #tpu.memory_space<hbm>> -> memref<512xf32, #tpu.memory_space<hbm>>
      %dma_wait3A_63 = tpu.memref_slice %arg6[%mul3A_2] : memref<16384xf32, #tpu.memory_space<hbm>> -> memref<512xf32, #tpu.memory_space<hbm>>
      %dma_wait3A_64 = arith.constant 0 : i32
      %dma_wait3A_65 = tpu.memref_slice %arg12[%dma_wait3A_64] : memref<528xf32, #tpu.memory_space<vmem>> -> memref<512xf32, #tpu.memory_space<vmem>>
      tpu.wait_dma2 semaphore(%run_scoped3A : memref<!tpu.dma_semaphore, #tpu.memory_space<semaphore_mem>>) src(%dma_wait3A_65 : memref<512xf32, #tpu.memory_space<vmem>>) dst(%dma_wait3A_63 : memref<512xf32, #tpu.memory_space<hbm>>)
      tpu.yield
    }) : () -> ()
    return
  }
}

</mosaic_0001>

<sc_bundles>
// kernel: kernel.3.cloned.1.call-start
scs
__scs_entry_jumppad:
0x0: {  	(pc) =	sbr.rel $0x88, $3  }
0x1: {  	(tag) =	ssettag $0x0;
	lr =	simm.s32 $0x1  }
0x2: {  	[smem:$0x3F9D] =	sst lr;
	_ =	strace $0xD0000000  }
0x3: {  	_ = 	snop  }
0x4: {  	_ = 	snop  }
0x5: {  	_ = 	snop  }
0x6: {  	_ = 	snop  }
0x7: {  	_ = 	snop  }
__scs_overlays_trampoline_lowered:
0x8: {  	[smem:$0x3FAC] =	sst s0  }
0x9: {  	[smem:$0x3FAD] =	sst s1  }
0xa: {  	[smem:$0x3FAE] =	sst s2  }
0xb: {  	[smem:$0x3FAF] =	sst s3  }
0xc: {  	[smem:$0x3FB0] =	sst s4  }
0xd: {  	[smem:$0x3FB1] =	sst s5  }
0xe: {  	[smem:$0x3FB2] =	sst s6  }
0xf: {  	[smem:$0x3FB3] =	sst s7  }
0x10: {  	[smem:$0x3FB4] =	sst s8  }
0x11: {  	[smem:$0x3FB5] =	sst s9;
	s0 =	simm.s32 @!p0 $0x0  }
0x12: {  	s1 =	sld [smem:$0x3F9B];
	s0 =	simm.s32 @p0 $0x1  }
0x13: {  	[smem:$0x3FB6] =	sst s0;
	s0 =	simm.s32 @!p1 $0x0  }
0x14: {  	s2 =	sld [smem:$0x3F9A];
	s0 =	simm.s32 @p1 $0x1  }
0x15: {  	[smem:$0x3FB7] =	sst s0;
	s0 =	simm.s32 @!p2 $0x0  }
0x16: {  	s3 =	sld [smem:$0x3FDB];
	s0 =	simm.s32 @p2 $0x1  }
0x17: {  	s4 =	simm.s32 $0x1BF5;
	[smem:$0x3FB9] =	sst s0  }
0x18: {  	s0 =	sld [smem:$0x3F9C];
	_ =	swait.ge [sflag:s4], $0x0  }
0x19: {  	s7 =	sld [smem:$0x3F9D]  }
0x1a: {  	s8 =	sadd.s32 $0xFFFFE003, lr  }
0x1b: {  	s9 =	sadd.s32 $0xFFFFFEF7, lr;
	s5 =	simm.s32 $0xFFFFFFFF;
	p2 =	slt.u32 s8, $0xFFFFF086  }
0x1c: {  	p1 =	slt.u32 s9, $0xF7A;
	s5 =	simm.s32 @!p2 $0x0  }
0x1d: {  	s5 =	simm.s32 @p1 $0x1;
	p0 =	seq.s32 s7, s2  }
0x1e: {  	s7 =	smul.u32 @!p0 $0xF7A, s2;
	p2 =	seq.s32 @!p0 s5, $0x0  }
0x1f: {  	s9 =	smul.u32 $0xF7A, s1;
	s8 =	simm.s32 @!p0 $0x1BF5;
	p2 =	por !p2, p0  }
0x20: {  	[sflag:s8] =	ssyncset.s32 @!p0 $0xFFFFF086;
	s6 =	sadd.s32 @!p0 s3, s7;
	s7 =	simm.s32 @!p0 $0x108  }
0x21: {  	s3 =	sadd.s32 s3, s9;
	s6 =	sadd.s32 @!p0 $0x88, s6;
	s7 =	simm.s32 @p2 $0x1082  }
0x22: {  	[simem:s7], [sflag:s8] =	dma.local @!p0 [hbm:s6], $0xF7A  }
0x23: {  	s9 =	sor.u32 $0xD0000000, s2;
	s6 =	simm.s32 $0x108;
	_ =	swait.ge @!p0 [sflag:s8], $0x0  }
0x24: {  	s3 =	sadd.s32 $0x88, s3;
	s6 =	simm.s32 @!p1 $0x1082;
	[sflag:s4] =	ssyncset.s32 $0xFFFFF086  }
0x25: {  	[simem:s6], [sflag:s4] =	dma.local [hbm:s3], $0xF7A  }
0x26: {  	[smem:$0x3F9D] =	sst s1;
	(tag) =	ssettag s2;
	_ =	strace s9  }
0x27: {  	s1 =	sld [smem:$0x3FAD]  }
0x28: {  	s2 =	sld [smem:$0x3FAE]  }
0x29: {  	s4 =	sld [smem:$0x3FB0]  }
0x2a: {  	p0 =	seq.s32 s5, $0x0;
	s5 =	sld [smem:$0x3FB1]  }
0x2b: {  	s6 =	sld [smem:$0x3FB2]  }
0x2c: {  	s7 =	sld [smem:$0x3FB3]  }
0x2d: {  	s3 =	simm.s32 $0x108;
	s8 =	sld [smem:$0x3FB4]  }
0x2e: {  	s3 =	simm.s32 @!p0 $0x1082;
	s9 =	sld [smem:$0x3FB5]  }
0x2f: {  	lr =	sadd.s32 s0, s3;
	s0 =	sld [smem:$0x3FAC]  }
0x30: {  	s3 =	sld [smem:$0x3FAF]  }
0x31: {  	[smem:$0x3FB8] =	sst s10  }
0x32: {  	s10 =	sld [smem:$0x3FB6];
	_ =	sdelay $0x3  }
0x33: {  	p0 =	seq.s32 s10, $0x1;
	s10 =	sld [smem:$0x3FB8];
	_ =	sdelay $0x3  }
0x34: {  	[smem:$0x3FB8] =	sst s10  }
0x35: {  	s10 =	sld [smem:$0x3FB7];
	_ =	sdelay $0x3  }
0x36: {  	p1 =	seq.s32 s10, $0x1;
	s10 =	sld [smem:$0x3FB8];
	_ =	sdelay $0x3  }
0x37: {  	[smem:$0x3FB8] =	sst s10  }
0x38: {  	s10 =	sld [smem:$0x3FB9]  }
0x39: {  	_ = 	snop;
	(pc) =	sbr.ind lr, $3  }
0x3a: {  	_ = 	snop  }
0x3b: {  	_ = 	snop  }
0x3c: {  	p2 =	seq.s32 s10, $0x1;
	s10 =	sld [smem:$0x3FB8]  }
0x3d: {  	_ =	shalt  }
0x3e: {  	_ =	shalt  }
0x3f: {  	_ =	shalt  }
0x40: {  	_ =	shalt  }
0x41: {  	_ =	shalt  }
0x42: {  	_ =	shalt  }
0x43: {  	_ =	shalt  }
0x44: {  	_ =	shalt  }
0x45: {  	_ =	shalt  }
0x46: {  	_ =	shalt  }
0x47: {  	_ =	shalt  }
0x48: {  	_ =	shalt  }
0x49: {  	_ =	shalt  }
0x4a: {  	_ =	shalt  }
0x4b: {  	_ =	shalt  }
0x4c: {  	_ =	shalt  }
0x4d: {  	_ =	shalt  }
0x4e: {  	_ =	shalt  }
0x4f: {  	_ =	shalt  }
0x50: {  	_ =	shalt  }
0x51: {  	_ =	shalt  }
0x52: {  	_ =	shalt  }
0x53: {  	_ =	shalt  }
0x54: {  	_ =	shalt  }
0x55: {  	_ =	shalt  }
0x56: {  	_ =	shalt  }
0x57: {  	_ =	shalt  }
0x58: {  	_ =	shalt  }
0x59: {  	_ =	shalt  }
0x5a: {  	_ =	shalt  }
0x5b: {  	_ =	shalt  }
0x5c: {  	_ =	shalt  }
0x5d: {  	_ =	shalt  }
0x5e: {  	_ =	shalt  }
0x5f: {  	_ =	shalt  }
0x60: {  	_ =	shalt  }
0x61: {  	_ =	shalt  }
0x62: {  	_ =	shalt  }
0x63: {  	_ =	shalt  }
0x64: {  	_ =	shalt  }
0x65: {  	_ =	shalt  }
0x66: {  	_ =	shalt  }
0x67: {  	_ =	shalt  }
0x68: {  	_ =	shalt  }
0x69: {  	_ =	shalt  }
0x6a: {  	_ =	shalt  }
0x6b: {  	_ =	shalt  }
0x6c: {  	_ =	shalt  }
0x6d: {  	_ =	shalt  }
0x6e: {  	_ =	shalt  }
0x6f: {  	_ =	shalt  }
0x70: {  	_ =	shalt  }
0x71: {  	_ =	shalt  }
0x72: {  	_ =	shalt  }
0x73: {  	_ =	shalt  }
0x74: {  	_ =	shalt  }
0x75: {  	_ =	shalt  }
0x76: {  	_ =	shalt  }
0x77: {  	_ =	shalt  }
0x78: {  	_ =	shalt  }
0x79: {  	_ =	shalt  }
0x7a: {  	_ =	shalt  }
0x7b: {  	_ =	shalt  }
0x7c: {  	_ =	shalt  }
0x7d: {  	_ =	shalt  }
0x7e: {  	_ =	shalt  }
0x7f: {  	_ =	shalt  }
0x80: {  	_ =	shalt  }
0x81: {  	_ =	shalt  }
0x82: {  	_ =	shalt  }
0x83: {  	_ =	shalt  }
0x84: {  	_ =	shalt  }
0x85: {  	_ =	shalt  }
0x86: {  	_ =	shalt  }
0x87: {  	_ =	shalt  }
.Lfunc_end0:
.L_simem_size_0:
called_computation_lowered:
.L_overlay_start_0:
0x88: {  	s2 =	sld [smem:$0x3FD9]  }
0x89: {  	s3 =	sld [smem:$0x3FFE];
	_ =	sdelay $0x1  }
0x8a: {  	s1 =	srdreg.scid  }
0x8b: {  	s0 =	sand.u32 $0x1, s1  }
0x8c: {  	s18 =	sshll.u32 s0, $0xA;
	s2 =	sadd.s32 s3, s2  }
0x8d: {  	s2 =	sadd.s32 s2, s18  }
0x8e: {  	[smem:$0x3FC4] =	sst s2  }
0x8f: {  	_ = 	snop  }
0x90: {  	s2 =	sld [smem:$0x3FC9]  }
0x91: {  	s19 =	sld [smem:$0x3FC8]  }
0x92: {  	s4 =	sld [smem:$0x3FC7]  }
0x93: {  	s5 =	sld [smem:$0x3FC6]  }
0x94: {  	s6 =	sld [smem:$0x3FD0];
	(tm) =	ssettm $0x1  }
0x95: {  	s7 =	sld [smem:$0x3FFB];
	_ =	sdelay $0x3  }
0x96: {  	_ =	strace s7  }
0x97: {  	s7 =	sld [smem:$0x3FFC];
	_ =	sdelay $0x3  }
0x98: {  	_ =	strace s7  }
0x99: {  	s7 =	sld [smem:$0x3FFD];
	_ =	sdelay $0x3  }
0x9a: {  	_ =	strace s7  }
0x9b: {  	_ =	strace $0x8FFFFFFF  }
0x9c: {  	s20 =	sld [smem:$0x3FDB];
	_ =	sdelay $0x1  }
0x9d: {  	s8 =	simm.s32 $_scs_section_size  }
0x9e: {  	s9 =	simm.s32 $_size__tile_overlayer_lowered;
	s10 =	simm.s32 $_tile_overlayer_lowered  }
0x9f: {  	s23 =	simm.s32 $0x1BFF;
	s22 =	sshll.u32 s10, $0x1;
	s7 =	sadd.s32 s8, s20  }
0xa0: {  	s11 =	simm.s32 $0x0;
	s21 =	sshll.u32 s9, $0x1;
	s9 =	sadd.s32 s22, s7  }
0xa1: {  	[timem:s11], [sflag:s23] =	dma.local [hbm:s9], s21  }
0xa2: {  	_ =	swait.ge [sflag:s23], s21  }
0xa3: {  	s8 =	ssub.s32 $0x0, s21;
	[sflag:s23] =	ssyncset.done $0x0  }
0xa4: {  	[sflag:s23] =	ssyncadd.s32 s8;
	_ =	sdelay $0x1  }
0xa5: {  	s24 =	simm.s32 $0x1B8B  }
0xa6: {  	_ =	swait.ge [sflag:s24], $0x1  }
0xa7: {  	[sflag:s24] =	ssyncset.done $0x0  }
0xa8: {  	s25 =	simm.s32 $0x1B8E;
	[sflag:s24] =	ssyncadd.s32 $0xFFFFFFFF  }
0xa9: {  	s26 =	simm.s32 $execute0_lowered;
	[smem:$0x3FD2] =	sst s25  }
0xaa: {  	s8 =	sshll.u32 s26, $0x1;
	_ =	strace $0x80000046;
	[dreg:$0x1] =	wrdreg $0xFFFFFFFF  }
0xab: {  	s28 =	simm.s32 $_size_execute0_lowered;
	s7 =	sadd.s32 s7, s8;
	[dreg:$0x0] =	wrdreg $0x0  }
0xac: {  	s8 =	sshll.u32 s28, $0x1;
	[dreg:$0x2] =	wrdreg s7  }
0xad: {  	[dreg:$0x3] =	wrdreg s8  }
0xae: {  	[dreg:$0x4] =	wrdreg $0xC0  }
0xaf: {  	_ =	task [dreg:s11], $0x5FFFF  }
0xb0: {  	[dreg:$0x1] =	wrdreg $0xFFFFFFFF  }
0xb1: {  	[dreg:$0x0] =	wrdreg $0x60  }
0xb2: {  	[dreg:$0x2] =	wrdreg s2  }
0xb3: {  	[dreg:$0x3] =	wrdreg s19  }
0xb4: {  	[dreg:$0x4] =	wrdreg s4  }
0xb5: {  	[dreg:$0x5] =	wrdreg s5  }
0xb6: {  	[dreg:$0x6] =	wrdreg s6  }
0xb7: {  	[dreg:$0x7] =	wrdreg $0x9  }
0xb8: {  	_ =	task.clear_ibuf [dreg:s11], $0x8FFFF;
	_ =	strace $0x90000046  }
0xb9: {  	s29 =	simm.s32 $0x9;
	_ =	strace $0x80000048  }
0xba: {  	_ =	swait.ge [sflag:s29], $0x1  }
0xbb: {  	[sflag:s29] =	ssyncadd.s32 $0xFFFFFFFF  }
0xbc: {  	_ =	strace $0x90000048  }
0xbd: {  	_ =	sfence  }
0xbe: {  	s30 =	sld [smem:$0x0];
	_ =	sdelay $0x2  }
0xbf: {  	s31 =	sshll.u32 s1, $0xD;
	s1 =	sshrl.u32 s1, $0x2  }
0xc0: {  	s3 =	sand.u32 $0x4000, s31;
	s1 =	sadd.s32 s1, s30  }
0xc1: {  	s0 =	sor.u32 s3, s0;
	s1 =	sshll.u32 s1, $0x11  }
0xc2: {  	s0 =	sor.u32 s1, s0  }
0xc3: {  	s0 =	sadd.s32 $0x8F2B, s0  }
0xc4: {  	[sflag:s0] =	ssyncadd.remote.s32 $0x1  }
0xc5: {  	_ =	sfence.sel $0xFFFF  }
0xc6: {  	[dreg:$0x0] =	wrdreg $0xFFFFFFFF;
	(pc) =	sbr.abs _section_cstart, $3  }
0xc7: {  	[dreg:$0x1] =	wrdreg $0xFFFFFFFF  }
0xc8: {  	_ =	task.clear_ibuf [dreg:s11], $0x2FFFF;
	_ =	strace $0x9FFFFFFF  }
0xc9: {  	(tm) =	ssettm $0x7FFFFFFF  }
tec
execute0_lowered:
.L_overlay_start_1:
0x0: {  	(tag) =	ssettag $0x1  }
0x1: {  	v0 =	vimm.s32 $0x3180;
	vm14 =	vcmask $0x300  }
0x2: {  	vm13 =	vcmask $0x704;
	vm12 =	vcmask $0xB08;
	vm11 =	vcmask $0xF0C  }
0x3: {  	v1 =	vlaneseq.u32;
	vm10 =	vcmask $0x1310;
	vm9 =	vcmask $0x1714  }
0x4: {  	vm8 =	vcmask $0x1B18;
	vm7 =	vcmask $0x1F1C;
	vm6 =	vcmask $0x2320  }
0x5: {  	vm5 =	vcmask $0x2724;
	vm4 =	vcmask $0x2B28;
	vm3 =	vcmask $0x2F2C  }
0x6: {  	vm1 =	vcmask $0x3330;
	v3 =	vimm.s32 $0x3580;
	vm0 =	vcmask $0x3734  }
0x7: {  	vm2 =	vcmask $0x3B38;
	v4 =	vimm.s32 $0x3780;
	v5 =	vimm.s32 $0x3980  }
0x8: {  	v6 =	vimm.s32 $0x3B80;
	v7 =	vimm.s32 $0x3D80;
	v8 =	vimm.s32 $0x3F80  }
0x9: {  	v9 =	vimm.s32 $0xBA98FEDC;
	v10 =	vimm.s32 $0x32107654;
	v11 =	vimm.s32 $0xFEDCBA98  }
0xa: {  	v0 =	vsel vm14, $0x0, v0;
	v3 =	vsel vm14, $0x400, v3;
	v4 =	vsel vm14, $0x600, v4  }
0xb: {  	v5 =	vsel vm14, $0x800, v5;
	v6 =	vsel vm14, $0xA00, v6;
	v7 =	vsel vm14, $0xC00, v7  }
0xc: {  	v8 =	vsel vm14, $0xE00, v8;
	v9 =	vunpack.c.l.s4.s8 v9;
	v10 =	vunpack.c.l.s4.s8 v10  }
0xd: {  	v11 =	vunpack.c.l.s4.s8 v11;
	v0 =	vsel vm13, $0x1000, v0;
	v3 =	vsel vm13, $0x1400, v3  }
0xe: {  	v4 =	vsel vm13, $0x1600, v4;
	v5 =	vsel vm13, $0x1800, v5;
	v6 =	vsel vm13, $0x1A00, v6  }
0xf: {  	v7 =	vsel vm13, $0x1C00, v7;
	v8 =	vsel vm13, $0x1E00, v8;
	v0 =	vsel vm12, $0x2000, v0  }
0x10: {  	v3 =	vsel vm12, $0x2400, v3;
	v4 =	vsel vm12, $0x2600, v4;
	v5 =	vsel vm12, $0x2800, v5  }
0x11: {  	v6 =	vsel vm12, $0x2A00, v6;
	v7 =	vsel vm12, $0x2C00, v7;
	v8 =	vsel vm12, $0x2E00, v8  }
0x12: {  	v9 =	vunpack.c.0.s8.s32 v9;
	v10 =	vunpack.c.0.s8.s32 v10;
	v11 =	vunpack.c.0.s8.s32 v11  }
0x13: {  	v2 =	vsel vm11, $0x3000, v0;
	v0 =	vand.u32 $0x3, v1;
	v3 =	vsel vm11, $0x3400, v3  }
0x14: {  	v4 =	vsel vm11, $0x3600, v4;
	v5 =	vsel vm11, $0x3800, v5;
	v6 =	vsel vm11, $0x3A00, v6  }
0x15: {  	v7 =	vsel vm11, $0x3C00, v7;
	v8 =	vsel vm11, $0x3E00, v8;
	v1 =	vsel vm10, $0x80, v2  }
0x16: {  	v2 =	vimm.s32 $0x3380;
	v3 =	vsel vm10, $0x480, v3;
	v4 =	vsel vm10, $0x680, v4  }
0x17: {  	v5 =	vsel vm10, $0x880, v5;
	v6 =	vsel vm10, $0xA80, v6;
	v7 =	vsel vm10, $0xC80, v7  }
0x18: {  	v8 =	vsel vm10, $0xE80, v8;
	v10 =	vcombine.low v10, v9;
	v9 =	vimm.s32 $0x76543210  }
0x19: {  	v11 =	vand.u32 $0xF, v11;
	v1 =	vsel vm9, $0x1080, v1;
	v2 =	vsel vm14, $0x200, v2  }
0x1a: {  	v3 =	vsel vm9, $0x1480, v3;
	v4 =	vsel vm9, $0x1680, v4;
	v5 =	vsel vm9, $0x1880, v5  }
0x1b: {  	v6 =	vsel vm9, $0x1A80, v6;
	v7 =	vsel vm9, $0x1C80, v7;
	v8 =	vsel vm9, $0x1E80, v8  }
0x1c: {  	v9 =	vunpack.c.l.s4.s8 v9;
	v1 =	vsel vm8, $0x2080, v1;
	v2 =	vsel vm13, $0x1200, v2  }
0x1d: {  	v3 =	vsel vm8, $0x2480, v3;
	v4 =	vsel vm8, $0x2680, v4;
	v5 =	vsel vm8, $0x2880, v5  }
0x1e: {  	v6 =	vsel vm8, $0x2A80, v6;
	v7 =	vsel vm8, $0x2C80, v7;
	v8 =	vsel vm8, $0x2E80, v8  }
0x1f: {  	v10 =	vand.u32 $0xF, v10;
	v1 =	vsel vm7, $0x3080, v1;
	v2 =	vsel vm12, $0x2200, v2  }
0x20: {  	v3 =	vsel vm7, $0x3480, v3;
	v4 =	vsel vm7, $0x3680, v4;
	v5 =	vsel vm7, $0x3880, v5  }
0x21: {  	v6 =	vsel vm7, $0x3A80, v6;
	v7 =	vsel vm7, $0x3C80, v7;
	v8 =	vsel vm7, $0x3E80, v8  }
0x22: {  	v9 =	vunpack.c.0.s8.s32 v9;
	v1 =	vsel vm6, $0x100, v1;
	v2 =	vsel vm11, $0x3200, v2  }
0x23: {  	v3 =	vsel vm6, $0x500, v3;
	v4 =	vsel vm6, $0x700, v4;
	v5 =	vsel vm6, $0x900, v5  }
0x24: {  	v6 =	vsel vm6, $0xB00, v6;
	v7 =	vsel vm6, $0xD00, v7;
	v8 =	vsel vm6, $0xF00, v8  }
0x25: {  	v1 =	vsel vm5, $0x1100, v1;
	v2 =	vsel vm10, $0x280, v2;
	v3 =	vsel vm5, $0x1500, v3  }
0x26: {  	v4 =	vsel vm5, $0x1700, v4;
	v5 =	vsel vm5, $0x1900, v5;
	v6 =	vsel vm5, $0x1B00, v6  }
0x27: {  	v7 =	vsel vm5, $0x1D00, v7;
	v8 =	vsel vm5, $0x1F00, v8;
	v9 =	vcombine.low v11, v9  }
0x28: {  	s2 =	rddreg [dreg:$0x0];
	v1 =	vsel vm4, $0x2100, v1;
	v2 =	vsel vm9, $0x1280, v2;
	v3 =	vsel vm4, $0x2500, v3  }
0x29: {  	s4 =	rddreg [dreg:$0x1];
	v4 =	vsel vm4, $0x2700, v4;
	v5 =	vsel vm4, $0x2900, v5;
	v6 =	vsel vm4, $0x2B00, v6  }
0x2a: {  	s0 =	rddreg [dreg:$0x2];
	v7 =	vsel vm4, $0x2D00, v7;
	v8 =	vsel vm4, $0x2F00, v8;
	v1 =	vsel vm3, $0x3100, v1  }
0x2b: {  	s1 =	rddreg [dreg:$0x3];
	v2 =	vsel vm8, $0x2280, v2;
	v3 =	vsel vm3, $0x3500, v3;
	v4 =	vsel vm3, $0x3700, v4  }
0x2c: {  	s11 =	rddreg [dreg:$0x4];
	s5 =	srdreg.scid;
	v5 =	vsel vm3, $0x3900, v5;
	v6 =	vsel vm3, $0x3B00, v6;
	v7 =	vsel vm3, $0x3D00, v7  }
0x2d: {  	s3 =	simm.s32 $0x0;
	s8 =	stileid.u32;
	s9 =	simm.s32 $0x7A1400;
	v8 =	vsel vm3, $0x3F00, v8;
	v1 =	vsel vm1, $0x180, v1;
	v2 =	vsel vm7, $0x3280, v2  }
0x2e: {  	s10 =	simm.s32 $0x500;
	s16 =	simm.s32 $0x10500;
	s23 =	simm.s32 $0x8;
	v3 =	vsel vm1, $0x580, v3;
	v4 =	vsel vm1, $0x780, v4;
	v5 =	vsel vm1, $0x980, v5  }
0x2f: {  	s17 =	simm.s32 $0x1B500;
	s18 =	simm.s32 $0xC500;
	s19 =	simm.s32 $0xD500;
	v6 =	vsel vm1, $0xB80, v6;
	v7 =	vsel vm1, $0xD80, v7;
	v8 =	vsel vm1, $0xF80, v8  }
0x30: {  	s20 =	simm.s32 $0xE500;
	s21 =	simm.s32 $0xF500;
	s22 =	simm.s32 $0x1C500;
	v1 =	vsel vm0, $0x1180, v1;
	v2 =	vsel vm6, $0x300, v2;
	v3 =	vsel vm0, $0x1580, v3  }
0x31: {  	s24 =	simm.s32 $0x1C580;
	s25 =	simm.s32 $0x0;
	s5 =	sand.u32 $0x1, s5;
	v4 =	vsel vm0, $0x1780, v4;
	v5 =	vsel vm0, $0x1980, v5;
	v2 =	vsel vm5, $0x1300, v2  }
.Ltmp0:
0x32: {  	[smem:$0x7FF] =	sst s3;
	s6 =	ssub.s32 $0x2, s5;
	v6 =	vsel vm0, $0x1B80, v6;
	v7 =	vsel vm0, $0x1D80, v7;
	v2 =	vsel vm4, $0x2300, v2;
	(pc) =	sbr.rel .LBB2_1-.Ltmp0, $4  }
0x33: {  	s8 =	sshll.u32 s8, $0x7;
	s5 =	sshll.u32 s5, $0x6;
	s7 =	sshrl.u32 s6, $0x1;
	v8 =	vsel vm0, $0x1F80, v8;
	v1 =	vsel vm2, $0x2180, v1;
	v2 =	vsel vm3, $0x3300, v2  }
0x34: {  	_ =	strace $0x80000047;
	s13 =	sor.u32 s5, s8;
	s12 =	ssub.s32 s6, s7;
	v3 =	vsel vm2, $0x2580, v3;
	v4 =	vsel vm2, $0x2780, v4;
	v2 =	vsel vm1, $0x380, v2  }
0x35: {  	s5 =	sadd.s32 s2, s13;
	s6 =	simm.s32 $0x280;
	s7 =	simm.s32 $0x400;
	v5 =	vsel vm2, $0x2980, v5;
	v6 =	vsel vm2, $0x2B80, v6;
	v2 =	vsel vm0, $0x1380, v2  }
0x36: {  	s8 =	sadd.s32 s4, s13;
	s11 =	sadd.s32 s11, s13;
	s12 =	smax.u32 s12, $0x1;
	v7 =	vsel vm2, $0x2D80, v7;
	v8 =	vsel vm2, $0x2F80, v8;
	v2 =	vsel vm2, $0x2380, v2  }
.LBB2_8:
0x37: {  	s25 =	sadd.s32 $0x1, s25  }
0x38: {  	p0 =	sne.s32 s25, s12  }
.Ltmp1:
0x39: {  	_ = 	snop;
	(pc) =	sbr.rel @!p0 .LBB2_9-.Ltmp1, $4  }
0x3a: {  	[hbm4b:s11+s3] =	stream.linear.scatter [tilespmem:s24], [sflag:$0x8], $0x200, $0x38;
	[tilespmem:$0x1C800] =	vst v63  }
0x3b: {  	_ =	swait.ge [sflag:s23], $0x200  }
0x3c: {  	[sflag:s23] =	ssyncset.done $0x0  }
0x3d: {  	[sflag:s23] =	ssyncadd.s32 $0xFFFFFE00  }
.LBB2_1:
0x3e: {  	[tilespmem:s3], [sflag:$0x8] =	stream.linear.gather [hbm4b:s5+s3], $0x200, $0x38;
	[tilespmem:$0x1C800] =	vst v63  }
0x3f: {  	_ =	swait.ge [sflag:s23], $0x200  }
0x40: {  	[sflag:s23] =	ssyncset.done $0x0  }
0x41: {  	[sflag:s23] =	ssyncadd.s32 $0xFFFFFE00  }
0x42: {  	[tilespmem:s6], [sflag:$0x8] =	stream.linear.gather [hbm4b:s8+s3], $0x200, $0x38;
	[tilespmem:$0x1C800] =	vst v63  }
0x43: {  	_ =	swait.ge [sflag:s23], $0x200  }
0x44: {  	[sflag:s23] =	ssyncset.done $0x0  }
0x45: {  	[sflag:s23] =	ssyncadd.s32 $0xFFFFFE00  }
0x46: {  	v11 =	vld [tilespmem:$0x0];
	_ =	sdelay $0x4  }
0x47: {  	(v2sf) =	vpush v11, $0x0;
	_ =	sdelay $0xe  }
0x48: {  	s2 =	spop (v2sf)  }
0x49: {  	s2 =	sand.u32 $0xFFFFF80, s2  }
0x4a: {  	s2 =	sadd.s32 s0, s2  }
0x4b: {  	[tilespmem:s10], [sflag:$0x1] =	stream.strided.gather [hbm4b:s2+s7], $0x1000, s9, s7, $0x38;
	[tilespmem:$0x1C800] =	vst v63  }
0x4c: {  	v11 =	vld [tilespmem:$0x1];
	_ =	sdelay $0x4  }
0x4d: {  	(v2sf) =	vpush v11, $0x0;
	_ =	sdelay $0xe  }
0x4e: {  	s4 =	spop (v2sf)  }
0x4f: {  	s2 =	sand.u32 $0xFFFFF80, s4  }
0x50: {  	s4 =	simm.s32 $0x1500;
	s2 =	sadd.s32 s0, s2  }
0x51: {  	[tilespmem:s4], [sflag:$0x1] =	stream.strided.gather [hbm4b:s2+s7], $0x1000, s9, s7, $0x38;
	[tilespmem:$0x1C800] =	vst v63  }
0x52: {  	v11 =	vld [tilespmem:$0x2];
	_ =	sdelay $0x4  }
0x53: {  	(v2sf) =	vpush v11, $0x0;
	_ =	sdelay $0xe  }
0x54: {  	s13 =	spop (v2sf)  }
0x55: {  	s2 =	sand.u32 $0xFFFFF80, s13  }
0x56: {  	s14 =	simm.s32 $0x2500;
	s2 =	sadd.s32 s0, s2  }
0x57: {  	[tilespmem:s14], [sflag:$0x1] =	stream.strided.gather [hbm4b:s2+s7], $0x1000, s9, s7, $0x38;
	[tilespmem:$0x1C800] =	vst v63  }
0x58: {  	v11 =	vld [tilespmem:$0x3];
	_ =	sdelay $0x4  }
0x59: {  	(v2sf) =	vpush v11, $0x0;
	_ =	sdelay $0xe  }
0x5a: {  	s15 =	spop (v2sf)  }
0x5b: {  	s2 =	sand.u32 $0xFFFFF80, s15  }
0x5c: {  	s26 =	simm.s32 $0x3500;
	s2 =	sadd.s32 s0, s2  }
0x5d: {  	[tilespmem:s26], [sflag:$0x1] =	stream.strided.gather [hbm4b:s2+s7], $0x1000, s9, s7, $0x38;
	[tilespmem:$0x1C800] =	vst v63  }
0x5e: {  	v11 =	vld [tilespmem:$0x280];
	_ =	sdelay $0x4  }
0x5f: {  	(v2sf) =	vpush v11, $0x0;
	_ =	sdelay $0xe  }
0x60: {  	s4 =	spop (v2sf)  }
0x61: {  	s2 =	sand.u32 $0xFFFFF80, s4  }
0x62: {  	s2 =	sadd.s32 s1, s2  }
0x63: {  	[tilespmem:s16], [sflag:$0x5] =	stream.strided.gather [hbm4b:s2+s7], $0x1000, s9, s7, $0x38;
	[tilespmem:$0x1C800] =	vst v63  }
0x64: {  	v11 =	vld [tilespmem:$0x281];
	_ =	sdelay $0x4  }
0x65: {  	(v2sf) =	vpush v11, $0x0;
	_ =	sdelay $0xe  }
0x66: {  	s13 =	spop (v2sf)  }
0x67: {  	s2 =	sand.u32 $0xFFFFF80, s13  }
0x68: {  	s14 =	simm.s32 $0x11500;
	s2 =	sadd.s32 s1, s2  }
0x69: {  	[tilespmem:s14], [sflag:$0x5] =	stream.strided.gather [hbm4b:s2+s7], $0x1000, s9, s7, $0x38;
	[tilespmem:$0x1C800] =	vst v63  }
0x6a: {  	v11 =	vld [tilespmem:$0x282];
	_ =	sdelay $0x4  }
0x6b: {  	(v2sf) =	vpush v11, $0x0;
	_ =	sdelay $0xe  }
0x6c: {  	s15 =	spop (v2sf)  }
0x6d: {  	s2 =	sand.u32 $0xFFFFF80, s15  }
0x6e: {  	s26 =	simm.s32 $0x12500;
	s2 =	sadd.s32 s1, s2  }
0x6f: {  	[tilespmem:s26], [sflag:$0x5] =	stream.strided.gather [hbm4b:s2+s7], $0x1000, s9, s7, $0x38;
	[tilespmem:$0x1C800] =	vst v63  }
0x70: {  	v11 =	vld [tilespmem:$0x283];
	_ =	sdelay $0x4  }
0x71: {  	(v2sf) =	vpush v11, $0x0;
	_ =	sdelay $0xe  }
0x72: {  	s13 =	spop (v2sf)  }
0x73: {  	s2 =	sand.u32 $0xFFFFF80, s13  }
0x74: {  	s14 =	simm.s32 $0x13500;
	s2 =	sadd.s32 s1, s2  }
0x75: {  	[tilespmem:s14], [sflag:$0x5] =	stream.strided.gather [hbm4b:s2+s7], $0x1000, s9, s7, $0x38;
	[tilespmem:$0x1C800] =	vst v63  }
0x76: {  	v11 =	vld [tilespmem:$0x4];
	_ =	sdelay $0x4  }
0x77: {  	(v2sf) =	vpush v11, $0x0;
	_ =	sdelay $0xe  }
0x78: {  	s15 =	spop (v2sf)  }
0x79: {  	s2 =	sand.u32 $0xFFFFF80, s15  }
0x7a: {  	s26 =	simm.s32 $0x4500;
	s2 =	sadd.s32 s0, s2  }
0x7b: {  	[tilespmem:s26], [sflag:$0x2] =	stream.strided.gather [hbm4b:s2+s7], $0x1000, s9, s7, $0x38;
	[tilespmem:$0x1C800] =	vst v63  }
0x7c: {  	v11 =	vld [tilespmem:$0x5];
	_ =	sdelay $0x4  }
0x7d: {  	(v2sf) =	vpush v11, $0x0;
	_ =	sdelay $0xe  }
0x7e: {  	s13 =	spop (v2sf)  }
0x7f: {  	s2 =	sand.u32 $0xFFFFF80, s13  }
0x80: {  	s14 =	simm.s32 $0x5500;
	s2 =	sadd.s32 s0, s2  }
0x81: {  	[tilespmem:s14], [sflag:$0x2] =	stream.strided.gather [hbm4b:s2+s7], $0x1000, s9, s7, $0x38;
	[tilespmem:$0x1C800] =	vst v63  }
0x82: {  	v11 =	vld [tilespmem:$0x6];
	_ =	sdelay $0x4  }
0x83: {  	(v2sf) =	vpush v11, $0x0;
	_ =	sdelay $0xe  }
0x84: {  	s15 =	spop (v2sf)  }
0x85: {  	s2 =	sand.u32 $0xFFFFF80, s15  }
0x86: {  	s26 =	simm.s32 $0x6500;
	s2 =	sadd.s32 s0, s2  }
0x87: {  	[tilespmem:s26], [sflag:$0x2] =	stream.strided.gather [hbm4b:s2+s7], $0x1000, s9, s7, $0x38;
	[tilespmem:$0x1C800] =	vst v63  }
0x88: {  	v11 =	vld [tilespmem:$0x7];
	_ =	sdelay $0x4  }
0x89: {  	(v2sf) =	vpush v11, $0x0;
	_ =	sdelay $0xe  }
0x8a: {  	s13 =	spop (v2sf)  }
0x8b: {  	s2 =	sand.u32 $0xFFFFF80, s13  }
0x8c: {  	s14 =	simm.s32 $0x7500;
	s2 =	sadd.s32 s0, s2  }
0x8d: {  	[tilespmem:s14], [sflag:$0x2] =	stream.strided.gather [hbm4b:s2+s7], $0x1000, s9, s7, $0x38;
	[tilespmem:$0x1C800] =	vst v63  }
0x8e: {  	v11 =	vld [tilespmem:$0x284];
	_ =	sdelay $0x4  }
0x8f: {  	(v2sf) =	vpush v11, $0x0;
	_ =	sdelay $0xe  }
0x90: {  	s15 =	spop (v2sf)  }
0x91: {  	s2 =	sand.u32 $0xFFFFF80, s15  }
0x92: {  	s26 =	simm.s32 $0x14500;
	s2 =	sadd.s32 s1, s2  }
0x93: {  	[tilespmem:s26], [sflag:$0x6] =	stream.strided.gather [hbm4b:s2+s7], $0x1000, s9, s7, $0x38;
	[tilespmem:$0x1C800] =	vst v63  }
0x94: {  	v11 =	vld [tilespmem:$0x285];
	_ =	sdelay $0x4  }
0x95: {  	(v2sf) =	vpush v11, $0x0;
	_ =	sdelay $0xe  }
0x96: {  	s13 =	spop (v2sf)  }
0x97: {  	s2 =	sand.u32 $0xFFFFF80, s13  }
0x98: {  	s14 =	simm.s32 $0x15500;
	s2 =	sadd.s32 s1, s2  }
0x99: {  	[tilespmem:s14], [sflag:$0x6] =	stream.strided.gather [hbm4b:s2+s7], $0x1000, s9, s7, $0x38;
	[tilespmem:$0x1C800] =	vst v63  }
0x9a: {  	v11 =	vld [tilespmem:$0x286];
	_ =	sdelay $0x4  }
0x9b: {  	(v2sf) =	vpush v11, $0x0;
	_ =	sdelay $0xe  }
0x9c: {  	s15 =	spop (v2sf)  }
0x9d: {  	s2 =	sand.u32 $0xFFFFF80, s15  }
0x9e: {  	s26 =	simm.s32 $0x16500;
	s2 =	sadd.s32 s1, s2  }
0x9f: {  	[tilespmem:s26], [sflag:$0x6] =	stream.strided.gather [hbm4b:s2+s7], $0x1000, s9, s7, $0x38;
	[tilespmem:$0x1C800] =	vst v63  }
0xa0: {  	v11 =	vld [tilespmem:$0x287];
	_ =	sdelay $0x4  }
0xa1: {  	(v2sf) =	vpush v11, $0x0;
	_ =	sdelay $0xe  }
0xa2: {  	s13 =	spop (v2sf)  }
0xa3: {  	s2 =	sand.u32 $0xFFFFF80, s13  }
0xa4: {  	s14 =	simm.s32 $0x17500;
	s2 =	sadd.s32 s1, s2  }
0xa5: {  	[tilespmem:s14], [sflag:$0x6] =	stream.strided.gather [hbm4b:s2+s7], $0x1000, s9, s7, $0x38;
	[tilespmem:$0x1C800] =	vst v63  }
0xa6: {  	v11 =	vld [tilespmem:$0x8];
	_ =	sdelay $0x4  }
0xa7: {  	(v2sf) =	vpush v11, $0x0;
	_ =	sdelay $0xe  }
0xa8: {  	s15 =	spop (v2sf)  }
0xa9: {  	s2 =	sand.u32 $0xFFFFF80, s15  }
0xaa: {  	s26 =	simm.s32 $0x8500;
	s2 =	sadd.s32 s0, s2  }
0xab: {  	[tilespmem:s26], [sflag:$0x3] =	stream.strided.gather [hbm4b:s2+s7], $0x1000, s9, s7, $0x38;
	[tilespmem:$0x1C800] =	vst v63  }
0xac: {  	v11 =	vld [tilespmem:$0x9];
	_ =	sdelay $0x4  }
0xad: {  	(v2sf) =	vpush v11, $0x0;
	_ =	sdelay $0xe  }
0xae: {  	s13 =	spop (v2sf)  }
0xaf: {  	s2 =	sand.u32 $0xFFFFF80, s13  }
0xb0: {  	s14 =	simm.s32 $0x9500;
	s2 =	sadd.s32 s0, s2  }
0xb1: {  	[tilespmem:s14], [sflag:$0x3] =	stream.strided.gather [hbm4b:s2+s7], $0x1000, s9, s7, $0x38;
	[tilespmem:$0x1C800] =	vst v63  }
0xb2: {  	v11 =	vld [tilespmem:$0xA];
	_ =	sdelay $0x4  }
0xb3: {  	(v2sf) =	vpush v11, $0x0;
	_ =	sdelay $0xe  }
0xb4: {  	s15 =	spop (v2sf)  }
0xb5: {  	s2 =	sand.u32 $0xFFFFF80, s15  }
0xb6: {  	s26 =	simm.s32 $0xA500;
	s2 =	sadd.s32 s0, s2  }
0xb7: {  	[tilespmem:s26], [sflag:$0x3] =	stream.strided.gather [hbm4b:s2+s7], $0x1000, s9, s7, $0x38;
	[tilespmem:$0x1C800] =	vst v63  }
0xb8: {  	v11 =	vld [tilespmem:$0xB];
	_ =	sdelay $0x4  }
0xb9: {  	(v2sf) =	vpush v11, $0x0;
	_ =	sdelay $0xe  }
0xba: {  	s13 =	spop (v2sf)  }
0xbb: {  	s2 =	sand.u32 $0xFFFFF80, s13  }
0xbc: {  	s14 =	simm.s32 $0xB500;
	s2 =	sadd.s32 s0, s2  }
0xbd: {  	[tilespmem:s14], [sflag:$0x3] =	stream.strided.gather [hbm4b:s2+s7], $0x1000, s9, s7, $0x38;
	[tilespmem:$0x1C800] =	vst v63  }
0xbe: {  	v11 =	vld [tilespmem:$0x288];
	_ =	sdelay $0x4  }
0xbf: {  	(v2sf) =	vpush v11, $0x0;
	_ =	sdelay $0xe  }
0xc0: {  	s15 =	spop (v2sf)  }
0xc1: {  	s2 =	sand.u32 $0xFFFFF80, s15  }
0xc2: {  	s26 =	simm.s32 $0x18500;
	s2 =	sadd.s32 s1, s2  }
0xc3: {  	[tilespmem:s26], [sflag:$0x7] =	stream.strided.gather [hbm4b:s2+s7], $0x1000, s9, s7, $0x38;
	[tilespmem:$0x1C800] =	vst v63  }
0xc4: {  	v11 =	vld [tilespmem:$0x289];
	_ =	sdelay $0x4  }
0xc5: {  	(v2sf) =	vpush v11, $0x0;
	_ =	sdelay $0xe  }
0xc6: {  	s13 =	spop (v2sf)  }
0xc7: {  	s2 =	sand.u32 $0xFFFFF80, s13  }
0xc8: {  	s14 =	simm.s32 $0x19500;
	s2 =	sadd.s32 s1, s2  }
0xc9: {  	[tilespmem:s14], [sflag:$0x7] =	stream.strided.gather [hbm4b:s2+s7], $0x1000, s9, s7, $0x38;
	[tilespmem:$0x1C800] =	vst v63  }
0xca: {  	v11 =	vld [tilespmem:$0x28A];
	_ =	sdelay $0x4  }
0xcb: {  	(v2sf) =	vpush v11, $0x0;
	_ =	sdelay $0xe  }
0xcc: {  	s15 =	spop (v2sf)  }
0xcd: {  	s2 =	sand.u32 $0xFFFFF80, s15  }
0xce: {  	s26 =	simm.s32 $0x1A500;
	s2 =	sadd.s32 s1, s2  }
0xcf: {  	[tilespmem:s26], [sflag:$0x7] =	stream.strided.gather [hbm4b:s2+s7], $0x1000, s9, s7, $0x38;
	[tilespmem:$0x1C800] =	vst v63  }
0xd0: {  	v11 =	vld [tilespmem:$0x28B];
	_ =	sdelay $0x4  }
0xd1: {  	(v2sf) =	vpush v11, $0x0;
	_ =	sdelay $0xe  }
0xd2: {  	s4 =	spop (v2sf)  }
0xd3: {  	s2 =	sand.u32 $0xFFFFF80, s4  }
0xd4: {  	s2 =	sadd.s32 s1, s2  }
0xd5: {  	[tilespmem:s17], [sflag:$0x7] =	stream.strided.gather [hbm4b:s2+s7], $0x1000, s9, s7, $0x38;
	[tilespmem:$0x1C800] =	vst v63  }
0xd6: {  	v11 =	vld [tilespmem:$0xC];
	_ =	sdelay $0x4  }
0xd7: {  	(v2sf) =	vpush v11, $0x0;
	_ =	sdelay $0xe  }
0xd8: {  	s13 =	spop (v2sf)  }
0xd9: {  	s2 =	sand.u32 $0xFFFFF80, s13  }
0xda: {  	s2 =	sadd.s32 s0, s2  }
0xdb: {  	[tilespmem:s18], [sflag:$0x4] =	stream.strided.gather [hbm4b:s2+s7], $0x1000, s9, s7, $0x38;
	[tilespmem:$0x1C800] =	vst v63  }
0xdc: {  	v11 =	vld [tilespmem:$0xD];
	_ =	sdelay $0x4  }
0xdd: {  	(v2sf) =	vpush v11, $0x0;
	_ =	sdelay $0xe  }
0xde: {  	s14 =	spop (v2sf)  }
0xdf: {  	s2 =	sand.u32 $0xFFFFF80, s14  }
0xe0: {  	s2 =	sadd.s32 s0, s2  }
0xe1: {  	[tilespmem:s19], [sflag:$0x4] =	stream.strided.gather [hbm4b:s2+s7], $0x1000, s9, s7, $0x38;
	[tilespmem:$0x1C800] =	vst v63  }
0xe2: {  	v11 =	vld [tilespmem:$0xE];
	_ =	sdelay $0x4  }
0xe3: {  	(v2sf) =	vpush v11, $0x0;
	_ =	sdelay $0xe  }
0xe4: {  	s15 =	spop (v2sf)  }
0xe5: {  	s2 =	sand.u32 $0xFFFFF80, s15  }
0xe6: {  	s2 =	sadd.s32 s0, s2  }
0xe7: {  	[tilespmem:s20], [sflag:$0x4] =	stream.strided.gather [hbm4b:s2+s7], $0x1000, s9, s7, $0x38;
	[tilespmem:$0x1C800] =	vst v63  }
0xe8: {  	v11 =	vld [tilespmem:$0xF];
	_ =	sdelay $0x4  }
0xe9: {  	(v2sf) =	vpush v11, $0x0;
	_ =	sdelay $0xd  }
.Ltmp2:
0xea: {  	_ = 	snop;
	(pc) =	sbr.rel .LBB2_2-.Ltmp2, $4  }
0xeb: {  	s28 =	simm.s32 $0x13;
	s26 =	spop (v2sf)  }
0xec: {  	s29 =	simm.s32 $0x1C580;
	s30 =	simm.s32 $0x0;
	s2 =	sand.u32 $0xFFFFF80, s26  }
0xed: {  	s31 =	simm.s32 $0x0;
	s26 =	simm.s32 $0x28F;
	s2 =	sadd.s32 s0, s2  }
0xee: {  	[tilespmem:s21], [sflag:$0x4] =	stream.strided.gather [hbm4b:s2+s7], $0x1000, s9, s7, $0x38;
	[tilespmem:$0x1C800] =	vst v63  }
.LBB2_3:
0xef: {  	p0 =	seq.s32 s4, $0x0;
	p2 =	por $0x0, $0x0  }
0xf0: {  	p4 =	por $0x0, $0x0;
	p3 =	por $0x0, $0x0;
	s13 =	simm.s32 @!p0 $0x2  }
0xf1: {  	p1 =	por @!p0 $0x1, $0x1;
	p5 =	por @!p0 $0x0, $0x0;
	s13 =	simm.s32 @p0 $0x1  }
0xf2: {  	p2 =	por @!p0 p5, p5;
	p4 =	por @!p0 p1, p1;
	p3 =	por @!p0 p5, p5  }
.LBB2_7:
0xf3: {  	_ =	swait.ge [sflag:s13], $0x1000  }
0xf4: {  	s2 =	smul.u32 $0xAB, s31;
	[sflag:s13] =	ssyncset.done $0x0  }
0xf5: {  	[sflag:s13] =	ssyncadd.s32 $0xFFFFF000  }
0xf6: {  	s2 =	sshrl.u32 s2, $0x9;
	_ =	swait.ge [sflag:s13], $0x1000  }
0xf7: {  	s2 =	sand.u32 $0x7F, s2;
	[sflag:s13] =	ssyncset.done $0x0  }
0xf8: {  	s2 =	smul.u32 $0x3, s2;
	[sflag:s13] =	ssyncadd.s32 $0xFFFFF000  }
0xf9: {  	_ =	swait.ge [sflag:s13], $0x1000  }
0xfa: {  	s2 =	ssub.s32 s31, s2;
	[sflag:s13] =	ssyncset.done $0x0  }
0xfb: {  	s14 =	sand.u32 $0xFF, s2;
	[sflag:s13] =	ssyncadd.s32 $0xFFFFF000  }
0xfc: {  	s15 =	simm.s32 $0x6;
	p0 =	seq.s32 s14, $0x1;
	_ =	swait.ge [sflag:s13], $0x1000  }
0xfd: {  	p1 =	seq.s32 s14, $0x0;
	s15 =	simm.s32 @!p0 $0x7;
	[sflag:s13] =	ssyncset.done $0x0  }
0xfe: {  	s15 =	simm.s32 @p1 $0x5;
	[sflag:s13] =	ssyncadd.s32 $0xFFFFF000  }
0xff: {  	_ =	swait.ge [sflag:s15], $0x1000  }
0x100: {  	[sflag:s15] =	ssyncset.done $0x0  }
0x101: {  	[sflag:s15] =	ssyncadd.s32 $0xFFFFF000  }
0x102: {  	_ =	swait.ge [sflag:s15], $0x1000  }
0x103: {  	[sflag:s15] =	ssyncset.done $0x0  }
0x104: {  	[sflag:s15] =	ssyncadd.s32 $0xFFFFF000  }
0x105: {  	_ =	swait.ge [sflag:s15], $0x1000  }
0x106: {  	v11 =	vor.u32 s30, v0;
	[sflag:s15] =	ssyncset.done $0x0  }
0x107: {  	[sflag:s15] =	ssyncadd.s32 $0xFFFFF000  }
0x108: {  	_ =	swait.ge [sflag:s15], $0x1000  }
0x109: {  	[sflag:s15] =	ssyncset.done $0x0  }
0x10a: {  	[sflag:s15] =	ssyncadd.s32 $0xFFFFF000  }
0x10b: {  	v12 =	vld.idx.msk [tilespmem:v11+s3+$0x0], $0xffff  }
0x10c: {  	v11 =	vld.idx.msk [tilespmem:v11+s6+$0x0], $0xffff;
	_ =	sdelay $0x3  }
0x10d: {  	s15 =	sshll.u32 s4, $0xE;
	v12 =	vand.u32 $0x7F, v12  }
0x10e: {  	v11 =	vand.u32 $0x7F, v11;
	v12 =	vor.u32 s15, v12;
	s15 =	sshll.u32 s14, $0xE  }
0x10f: {  	v13 =	vor.u32 v1, v12;
	v11 =	vor.u32 s15, v11  }
0x110: {  	v14 =	vor.u32 v1, v11  }
0x111: {  	v15 =	vor.u32 v2, v12  }
0x112: {  	v16 =	vor.u32 v2, v11  }
0x113: {  	v17 =	vor.u32 v3, v12  }
0x114: {  	v18 =	vor.u32 v3, v11;
	v13 =	vld.idx.msk [tilespmem:v13+s10+$0x0], $0xffff  }
0x115: {  	v19 =	vor.u32 v4, v12;
	v14 =	vld.idx.msk [tilespmem:v14+s16+$0x0], $0xffff  }
0x116: {  	v20 =	vor.u32 v4, v11;
	v15 =	vld.idx.msk [tilespmem:v15+s10+$0x0], $0xffff  }
0x117: {  	v21 =	vor.u32 v5, v12;
	v16 =	vld.idx.msk [tilespmem:v16+s16+$0x0], $0xffff  }
0x118: {  	v22 =	vor.u32 v5, v11;
	v17 =	vld.idx.msk [tilespmem:v17+s10+$0x0], $0xffff  }
0x119: {  	v23 =	vor.u32 v6, v12;
	v18 =	vld.idx.msk [tilespmem:v18+s16+$0x0], $0xffff  }
0x11a: {  	v51 =	vor.u32 v6, v11;
	v50 =	vld.idx.msk [tilespmem:v19+s10+$0x0], $0xffff;
	v13 =	vmul.f32 v14, v13  }
0x11b: {  	v24 =	vor.u32 v7, v12;
	v20 =	vld.idx.msk [tilespmem:v20+s16+$0x0], $0xffff  }
0x11c: {  	v53 =	vor.u32 v7, v11;
	v52 =	vld.idx.msk [tilespmem:v21+s10+$0x0], $0xffff;
	v15 =	vmul.f32 v16, v15;
	v13 =	vadd.f32 $0.0e+00, v13  }
0x11d: {  	v12 =	vor.u32 v8, v12;
	v22 =	vld.idx.msk [tilespmem:v22+s16+$0x0], $0xffff  }
0x11e: {  	v11 =	vor.u32 v8, v11;
	v55 =	vld.idx.msk [tilespmem:v23+s10+$0x0], $0xffff;
	v54 =	vmul.f32 v18, v17;
	v13 =	vadd.f32 v15, v13  }
0x11f: {  	v56 =	vld.idx.msk [tilespmem:v51+s16+$0x0], $0xffff  }
0x120: {  	v57 =	vld.idx.msk [tilespmem:v24+s10+$0x0], $0xffff;
	v14 =	vmul.f32 v20, v50;
	v13 =	vadd.f32 v54, v13  }
0x121: {  	v58 =	vld.idx.msk [tilespmem:v53+s16+$0x0], $0xffff  }
0x122: {  	v12 =	vld.idx.msk [tilespmem:v12+s10+$0x0], $0xffff;
	v59 =	vmul.f32 v22, v52;
	v13 =	vadd.f32 v14, v13  }
0x123: {  	v11 =	vld.idx.msk [tilespmem:v11+s16+$0x0], $0xffff  }
0x124: {  	v60 =	vmul.f32 v56, v55;
	v13 =	vadd.f32 v59, v13;
	_ =	sdelay $0x1  }
0x125: {  	v61 =	vmul.f32 v58, v57;
	v13 =	vadd.f32 v60, v13;
	_ =	sdelay $0x1  }
0x126: {  	v11 =	vmul.f32 v11, v12;
	v13 =	vadd.f32 v61, v13;
	_ =	sdelay $0x1  }
0x127: {  	v11 =	vadd.f32 v11, v13;
	_ =	sdelay $0x1  }
0x128: {  	[tilespmem:$0x1C500] =	vst v11  }
0x129: {  	v62 =	vld.idx.msk [tilespmem:v9+s22+$0x0], $0xffff;
	_ =	sdelay $0x4  }
0x12a: {  	v11 =	vadd.f32 v62, v11;
	_ =	sdelay $0x1  }
0x12b: {  	[tilespmem:$0x1C500] =	vst v11  }
0x12c: {  	v63 =	vld.idx.msk [tilespmem:v10+s22+$0x0], $0xffff;
	_ =	sdelay $0x4  }
0x12d: {  	p5 =	sgt.u32 s31, $0x7B;
	v11 =	vadd.f32 v63, v11  }
0x12e: {  	p6 =	sne.s32 @!p5 s4, $0x0  }
0x12f: {  	p6 =	por p6, p5;
	[tilespmem:s29+$0x0] =	vst.msk $0xf, v11  }
0x130: {  	v11 =	vld @!p6 [tilespmem:s28+$0xFFFFFFFD];
	_ =	sdelay $0x4  }
0x131: {  	(v2sf) =	vpush @!p6 v11, $0x0;
	_ =	sdelay $0xe  }
0x132: {  	s4 =	spop @!p6 (v2sf)  }
0x133: {  	s13 =	simm.s32 @!p6 $0x400;
	s4 =	sand.u32 @!p6 $0xFFFFF80, s4  }
0x134: {  	s14 =	simm.s32 @!p6 $0x7A1400;
	s15 =	simm.s32 @!p6 $0x500;
	s4 =	sadd.s32 @!p6 s0, s4  }
0x135: {  	[tilespmem:s15], [sflag:$0x1] =	stream.strided.gather @!p6 [hbm4b:s4+s13], $0x1000, s14, s13, $0x38;
	[tilespmem:$0x1C800] =	vst v63  }
0x136: {  	v11 =	vld @!p6 [tilespmem:s28+$0xFFFFFFFE];
	_ =	sdelay $0x4  }
0x137: {  	(v2sf) =	vpush @!p6 v11, $0x0;
	_ =	sdelay $0xe  }
0x138: {  	s4 =	spop @!p6 (v2sf)  }
0x139: {  	s4 =	sand.u32 @!p6 $0xFFFFF80, s4  }
0x13a: {  	s15 =	simm.s32 @!p6 $0x1500;
	s4 =	sadd.s32 @!p6 s0, s4  }
0x13b: {  	[tilespmem:s15], [sflag:$0x1] =	stream.strided.gather @!p6 [hbm4b:s4+s13], $0x1000, s14, s13, $0x38;
	[tilespmem:$0x1C800] =	vst v63  }
0x13c: {  	v11 =	vld @!p6 [tilespmem:s28+$0xFFFFFFFF];
	_ =	sdelay $0x4  }
0x13d: {  	(v2sf) =	vpush @!p6 v11, $0x0;
	_ =	sdelay $0xe  }
0x13e: {  	s4 =	spop @!p6 (v2sf)  }
0x13f: {  	s4 =	sand.u32 @!p6 $0xFFFFF80, s4  }
0x140: {  	s15 =	simm.s32 @!p6 $0x2500;
	s4 =	sadd.s32 @!p6 s0, s4  }
0x141: {  	[tilespmem:s15], [sflag:$0x1] =	stream.strided.gather @!p6 [hbm4b:s4+s13], $0x1000, s14, s13, $0x38;
	[tilespmem:$0x1C800] =	vst v63  }
0x142: {  	v11 =	vld @!p6 [tilespmem:s28+$0x0];
	_ =	sdelay $0x4  }
0x143: {  	(v2sf) =	vpush @!p6 v11, $0x0;
	_ =	sdelay $0xe  }
0x144: {  	s4 =	spop @!p6 (v2sf)  }
0x145: {  	p4 =	por !p4, !p4;
	s4 =	sand.u32 @!p6 $0xFFFFF80, s4  }
0x146: {  	p4 =	por p5, p4;
	s15 =	simm.s32 @!p6 $0x3500;
	s4 =	sadd.s32 @!p6 s0, s4  }
0x147: {  	[tilespmem:s15], [sflag:$0x1] =	stream.strided.gather @!p6 [hbm4b:s4+s13], $0x1000, s14, s13, $0x38;
	[tilespmem:$0x1C800] =	vst v63  }
0x148: {  	v11 =	vld @!p4 [tilespmem:s28+$0xFFFFFFFD];
	_ =	sdelay $0x4  }
0x149: {  	(v2sf) =	vpush @!p4 v11, $0x0;
	_ =	sdelay $0xe  }
0x14a: {  	s4 =	spop @!p4 (v2sf)  }
0x14b: {  	s13 =	simm.s32 @!p4 $0x400;
	s4 =	sand.u32 @!p4 $0xFFFFF80, s4  }
0x14c: {  	s14 =	simm.s32 @!p4 $0x7A1400;
	s15 =	simm.s32 @!p4 $0x4500;
	s4 =	sadd.s32 @!p4 s0, s4  }
0x14d: {  	[tilespmem:s15], [sflag:$0x2] =	stream.strided.gather @!p4 [hbm4b:s4+s13], $0x1000, s14, s13, $0x38;
	[tilespmem:$0x1C800] =	vst v63  }
0x14e: {  	v11 =	vld @!p4 [tilespmem:s28+$0xFFFFFFFE];
	_ =	sdelay $0x4  }
0x14f: {  	(v2sf) =	vpush @!p4 v11, $0x0;
	_ =	sdelay $0xe  }
0x150: {  	s4 =	spop @!p4 (v2sf)  }
0x151: {  	s4 =	sand.u32 @!p4 $0xFFFFF80, s4  }
0x152: {  	s15 =	simm.s32 @!p4 $0x5500;
	s4 =	sadd.s32 @!p4 s0, s4  }
0x153: {  	[tilespmem:s15], [sflag:$0x2] =	stream.strided.gather @!p4 [hbm4b:s4+s13], $0x1000, s14, s13, $0x38;
	[tilespmem:$0x1C800] =	vst v63  }
0x154: {  	v11 =	vld @!p4 [tilespmem:s28+$0xFFFFFFFF];
	_ =	sdelay $0x4  }
0x155: {  	(v2sf) =	vpush @!p4 v11, $0x0;
	_ =	sdelay $0xe  }
0x156: {  	s4 =	spop @!p4 (v2sf)  }
0x157: {  	s4 =	sand.u32 @!p4 $0xFFFFF80, s4  }
0x158: {  	s15 =	simm.s32 @!p4 $0x6500;
	s4 =	sadd.s32 @!p4 s0, s4  }
0x159: {  	[tilespmem:s15], [sflag:$0x2] =	stream.strided.gather @!p4 [hbm4b:s4+s13], $0x1000, s14, s13, $0x38;
	[tilespmem:$0x1C800] =	vst v63  }
0x15a: {  	v11 =	vld @!p4 [tilespmem:s28+$0x0];
	_ =	sdelay $0x4  }
0x15b: {  	(v2sf) =	vpush @!p4 v11, $0x0;
	_ =	sdelay $0xe  }
0x15c: {  	s4 =	spop @!p4 (v2sf)  }
0x15d: {  	p3 =	por !p3, !p3;
	s4 =	sand.u32 @!p4 $0xFFFFF80, s4  }
0x15e: {  	p3 =	por p5, p3;
	s15 =	simm.s32 @!p4 $0x7500;
	s4 =	sadd.s32 @!p4 s0, s4  }
0x15f: {  	[tilespmem:s15], [sflag:$0x2] =	stream.strided.gather @!p4 [hbm4b:s4+s13], $0x1000, s14, s13, $0x38;
	[tilespmem:$0x1C800] =	vst v63  }
0x160: {  	v11 =	vld @!p3 [tilespmem:s28+$0xFFFFFFFD];
	_ =	sdelay $0x4  }
0x161: {  	(v2sf) =	vpush @!p3 v11, $0x0;
	_ =	sdelay $0xe  }
0x162: {  	s4 =	spop @!p3 (v2sf)  }
0x163: {  	s13 =	simm.s32 @!p3 $0x400;
	s4 =	sand.u32 @!p3 $0xFFFFF80, s4  }
0x164: {  	s14 =	simm.s32 @!p3 $0x7A1400;
	s15 =	simm.s32 @!p3 $0x8500;
	s4 =	sadd.s32 @!p3 s0, s4  }
0x165: {  	[tilespmem:s15], [sflag:$0x3] =	stream.strided.gather @!p3 [hbm4b:s4+s13], $0x1000, s14, s13, $0x38;
	[tilespmem:$0x1C800] =	vst v63  }
0x166: {  	v11 =	vld @!p3 [tilespmem:s28+$0xFFFFFFFE];
	_ =	sdelay $0x4  }
0x167: {  	(v2sf) =	vpush @!p3 v11, $0x0;
	_ =	sdelay $0xe  }
0x168: {  	s4 =	spop @!p3 (v2sf)  }
0x169: {  	s4 =	sand.u32 @!p3 $0xFFFFF80, s4  }
0x16a: {  	s15 =	simm.s32 @!p3 $0x9500;
	s4 =	sadd.s32 @!p3 s0, s4  }
0x16b: {  	[tilespmem:s15], [sflag:$0x3] =	stream.strided.gather @!p3 [hbm4b:s4+s13], $0x1000, s14, s13, $0x38;
	[tilespmem:$0x1C800] =	vst v63  }
0x16c: {  	v11 =	vld @!p3 [tilespmem:s28+$0xFFFFFFFF];
	_ =	sdelay $0x4  }
0x16d: {  	(v2sf) =	vpush @!p3 v11, $0x0;
	_ =	sdelay $0xe  }
0x16e: {  	s4 =	spop @!p3 (v2sf)  }
0x16f: {  	s4 =	sand.u32 @!p3 $0xFFFFF80, s4  }
0x170: {  	s15 =	simm.s32 @!p3 $0xA500;
	s4 =	sadd.s32 @!p3 s0, s4  }
0x171: {  	[tilespmem:s15], [sflag:$0x3] =	stream.strided.gather @!p3 [hbm4b:s4+s13], $0x1000, s14, s13, $0x38;
	[tilespmem:$0x1C800] =	vst v63  }
0x172: {  	v11 =	vld @!p3 [tilespmem:s28+$0x0];
	_ =	sdelay $0x4  }
0x173: {  	(v2sf) =	vpush @!p3 v11, $0x0;
	_ =	sdelay $0xe  }
0x174: {  	s4 =	spop @!p3 (v2sf)  }
0x175: {  	p2 =	por !p2, !p2;
	s4 =	sand.u32 @!p3 $0xFFFFF80, s4  }
0x176: {  	p2 =	por p5, p2;
	s15 =	simm.s32 @!p3 $0xB500;
	s4 =	sadd.s32 @!p3 s0, s4  }
0x177: {  	[tilespmem:s15], [sflag:$0x3] =	stream.strided.gather @!p3 [hbm4b:s4+s13], $0x1000, s14, s13, $0x38;
	[tilespmem:$0x1C800] =	vst v63  }
0x178: {  	v11 =	vld @!p2 [tilespmem:s28+$0xFFFFFFFD];
	_ =	sdelay $0x4  }
0x179: {  	(v2sf) =	vpush @!p2 v11, $0x0;
	_ =	sdelay $0xe  }
0x17a: {  	s4 =	spop @!p2 (v2sf)  }
0x17b: {  	s13 =	simm.s32 @!p2 $0x400;
	s4 =	sand.u32 @!p2 $0xFFFFF80, s4  }
0x17c: {  	s14 =	simm.s32 @!p2 $0x7A1400;
	s15 =	simm.s32 @!p2 $0xC500;
	s4 =	sadd.s32 @!p2 s0, s4  }
0x17d: {  	[tilespmem:s15], [sflag:$0x4] =	stream.strided.gather @!p2 [hbm4b:s4+s13], $0x1000, s14, s13, $0x38;
	[tilespmem:$0x1C800] =	vst v63  }
0x17e: {  	v11 =	vld @!p2 [tilespmem:s28+$0xFFFFFFFE];
	_ =	sdelay $0x4  }
0x17f: {  	(v2sf) =	vpush @!p2 v11, $0x0;
	_ =	sdelay $0xe  }
0x180: {  	s4 =	spop @!p2 (v2sf)  }
0x181: {  	s4 =	sand.u32 @!p2 $0xFFFFF80, s4  }
0x182: {  	s15 =	simm.s32 @!p2 $0xD500;
	s4 =	sadd.s32 @!p2 s0, s4  }
0x183: {  	[tilespmem:s15], [sflag:$0x4] =	stream.strided.gather @!p2 [hbm4b:s4+s13], $0x1000, s14, s13, $0x38;
	[tilespmem:$0x1C800] =	vst v63  }
0x184: {  	v11 =	vld @!p2 [tilespmem:s28+$0xFFFFFFFF];
	_ =	sdelay $0x4  }
0x185: {  	(v2sf) =	vpush @!p2 v11, $0x0;
	_ =	sdelay $0xe  }
0x186: {  	s4 =	spop @!p2 (v2sf)  }
0x187: {  	s4 =	sand.u32 @!p2 $0xFFFFF80, s4  }
0x188: {  	s15 =	simm.s32 @!p2 $0xE500;
	s4 =	sadd.s32 @!p2 s0, s4  }
0x189: {  	[tilespmem:s15], [sflag:$0x4] =	stream.strided.gather @!p2 [hbm4b:s4+s13], $0x1000, s14, s13, $0x38;
	[tilespmem:$0x1C800] =	vst v63  }
0x18a: {  	v11 =	vld @!p2 [tilespmem:s28+$0x0];
	_ =	sdelay $0x4  }
0x18b: {  	(v2sf) =	vpush @!p2 v11, $0x0;
	_ =	sdelay $0xe  }
0x18c: {  	s4 =	spop @!p2 (v2sf)  }
0x18d: {  	s4 =	sand.u32 @!p2 $0xFFFFF80, s4  }
0x18e: {  	s15 =	simm.s32 @!p2 $0xF500;
	s4 =	sadd.s32 @!p2 s0, s4  }
0x18f: {  	[tilespmem:s15], [sflag:$0x4] =	stream.strided.gather @!p2 [hbm4b:s4+s13], $0x1000, s14, s13, $0x38;
	[tilespmem:$0x1C800] =	vst v63  }
0x190: {  	p2 =	sgt.u32 s31, $0x7C  }
0x191: {  	s2 =	sand.u32 @!p2 $0xFF, s2  }
0x192: {  	p3 =	sne.s32 @!p2 s2, $0x0  }
0x193: {  	p3 =	por p3, p2  }
0x194: {  	v11 =	vld @!p3 [tilespmem:s26+$0xFFFFFFFD];
	_ =	sdelay $0x4  }
0x195: {  	(v2sf) =	vpush @!p3 v11, $0x0;
	_ =	sdelay $0xe  }
0x196: {  	s4 =	spop @!p3 (v2sf)  }
0x197: {  	s13 =	simm.s32 @!p3 $0x400;
	s4 =	sand.u32 @!p3 $0xFFFFF80, s4  }
0x198: {  	s14 =	simm.s32 @!p3 $0x7A1400;
	s15 =	simm.s32 @!p3 $0x10500;
	s4 =	sadd.s32 @!p3 s1, s4  }
0x199: {  	[tilespmem:s15], [sflag:$0x5] =	stream.strided.gather @!p3 [hbm4b:s4+s13], $0x1000, s14, s13, $0x38;
	[tilespmem:$0x1C800] =	vst v63  }
0x19a: {  	v11 =	vld @!p3 [tilespmem:s26+$0xFFFFFFFE];
	_ =	sdelay $0x4  }
0x19b: {  	(v2sf) =	vpush @!p3 v11, $0x0;
	_ =	sdelay $0xe  }
0x19c: {  	s4 =	spop @!p3 (v2sf)  }
0x19d: {  	s4 =	sand.u32 @!p3 $0xFFFFF80, s4  }
0x19e: {  	s15 =	simm.s32 @!p3 $0x11500;
	s4 =	sadd.s32 @!p3 s1, s4  }
0x19f: {  	[tilespmem:s15], [sflag:$0x5] =	stream.strided.gather @!p3 [hbm4b:s4+s13], $0x1000, s14, s13, $0x38;
	[tilespmem:$0x1C800] =	vst v63  }
0x1a0: {  	v11 =	vld @!p3 [tilespmem:s26+$0xFFFFFFFF];
	_ =	sdelay $0x4  }
0x1a1: {  	(v2sf) =	vpush @!p3 v11, $0x0;
	_ =	sdelay $0xe  }
0x1a2: {  	s4 =	spop @!p3 (v2sf)  }
0x1a3: {  	s4 =	sand.u32 @!p3 $0xFFFFF80, s4  }
0x1a4: {  	s15 =	simm.s32 @!p3 $0x12500;
	s4 =	sadd.s32 @!p3 s1, s4  }
0x1a5: {  	[tilespmem:s15], [sflag:$0x5] =	stream.strided.gather @!p3 [hbm4b:s4+s13], $0x1000, s14, s13, $0x38;
	[tilespmem:$0x1C800] =	vst v63  }
0x1a6: {  	v11 =	vld @!p3 [tilespmem:s26+$0x0];
	_ =	sdelay $0x4  }
0x1a7: {  	(v2sf) =	vpush @!p3 v11, $0x0;
	_ =	sdelay $0xe  }
0x1a8: {  	s4 =	spop @!p3 (v2sf)  }
0x1a9: {  	s4 =	sand.u32 @!p3 $0xFFFFF80, s4  }
0x1aa: {  	s15 =	simm.s32 @!p3 $0x13500;
	s4 =	sadd.s32 @!p3 s1, s4  }
0x1ab: {  	[tilespmem:s15], [sflag:$0x5] =	stream.strided.gather @!p3 [hbm4b:s4+s13], $0x1000, s14, s13, $0x38;
	[tilespmem:$0x1C800] =	vst v63  }
0x1ac: {  	p3 =	sne.s32 @!p2 s2, $0x1  }
0x1ad: {  	p3 =	por p3, p2  }
0x1ae: {  	v11 =	vld @!p3 [tilespmem:s26+$0xFFFFFFFD];
	_ =	sdelay $0x4  }
0x1af: {  	(v2sf) =	vpush @!p3 v11, $0x0;
	_ =	sdelay $0xe  }
0x1b0: {  	s2 =	spop @!p3 (v2sf)  }
0x1b1: {  	s4 =	simm.s32 @!p3 $0x400;
	s2 =	sand.u32 @!p3 $0xFFFFF80, s2  }
0x1b2: {  	s13 =	simm.s32 @!p3 $0x7A1400;
	s14 =	simm.s32 @!p3 $0x14500;
	s2 =	sadd.s32 @!p3 s1, s2  }
0x1b3: {  	[tilespmem:s14], [sflag:$0x6] =	stream.strided.gather @!p3 [hbm4b:s2+s4], $0x1000, s13, s4, $0x38;
	[tilespmem:$0x1C800] =	vst v63  }
0x1b4: {  	v11 =	vld @!p3 [tilespmem:s26+$0xFFFFFFFE];
	_ =	sdelay $0x4  }
0x1b5: {  	(v2sf) =	vpush @!p3 v11, $0x0;
	_ =	sdelay $0xe  }
0x1b6: {  	s2 =	spop @!p3 (v2sf)  }
0x1b7: {  	s2 =	sand.u32 @!p3 $0xFFFFF80, s2  }
0x1b8: {  	s14 =	simm.s32 @!p3 $0x15500;
	s2 =	sadd.s32 @!p3 s1, s2  }
0x1b9: {  	[tilespmem:s14], [sflag:$0x6] =	stream.strided.gather @!p3 [hbm4b:s2+s4], $0x1000, s13, s4, $0x38;
	[tilespmem:$0x1C800] =	vst v63  }
0x1ba: {  	v11 =	vld @!p3 [tilespmem:s26+$0xFFFFFFFF];
	_ =	sdelay $0x4  }
0x1bb: {  	(v2sf) =	vpush @!p3 v11, $0x0;
	_ =	sdelay $0xe  }
0x1bc: {  	s2 =	spop @!p3 (v2sf)  }
0x1bd: {  	s2 =	sand.u32 @!p3 $0xFFFFF80, s2  }
0x1be: {  	s14 =	simm.s32 @!p3 $0x16500;
	s2 =	sadd.s32 @!p3 s1, s2  }
0x1bf: {  	[tilespmem:s14], [sflag:$0x6] =	stream.strided.gather @!p3 [hbm4b:s2+s4], $0x1000, s13, s4, $0x38;
	[tilespmem:$0x1C800] =	vst v63  }
0x1c0: {  	v11 =	vld @!p3 [tilespmem:s26+$0x0];
	_ =	sdelay $0x4  }
0x1c1: {  	(v2sf) =	vpush @!p3 v11, $0x0;
	_ =	sdelay $0xc  }
0x1c2: {  	p4 =	por !p1, !p1  }
0x1c3: {  	p4 =	por @!p0 p1, p1  }
0x1c4: {  	p0 =	por !p4, !p4;
	s2 =	spop @!p3 (v2sf)  }
0x1c5: {  	p0 =	por !p0, !p0;
	s2 =	sand.u32 @!p3 $0xFFFFF80, s2  }
0x1c6: {  	p0 =	por p2, p0;
	s14 =	simm.s32 @!p3 $0x17500;
	s2 =	sadd.s32 @!p3 s1, s2  }
0x1c7: {  	[tilespmem:s14], [sflag:$0x6] =	stream.strided.gather @!p3 [hbm4b:s2+s4], $0x1000, s13, s4, $0x38;
	[tilespmem:$0x1C800] =	vst v63  }
0x1c8: {  	v11 =	vld @!p0 [tilespmem:s26+$0xFFFFFFFD];
	_ =	sdelay $0x4  }
0x1c9: {  	(v2sf) =	vpush @!p0 v11, $0x0;
	_ =	sdelay $0xe  }
0x1ca: {  	s2 =	spop @!p0 (v2sf)  }
0x1cb: {  	s4 =	simm.s32 @!p0 $0x400;
	s2 =	sand.u32 @!p0 $0xFFFFF80, s2  }
0x1cc: {  	s13 =	simm.s32 @!p0 $0x7A1400;
	s14 =	simm.s32 @!p0 $0x18500;
	s2 =	sadd.s32 @!p0 s1, s2  }
0x1cd: {  	[tilespmem:s14], [sflag:$0x7] =	stream.strided.gather @!p0 [hbm4b:s2+s4], $0x1000, s13, s4, $0x38;
	[tilespmem:$0x1C800] =	vst v63  }
0x1ce: {  	v11 =	vld @!p0 [tilespmem:s26+$0xFFFFFFFE];
	_ =	sdelay $0x4  }
0x1cf: {  	(v2sf) =	vpush @!p0 v11, $0x0;
	_ =	sdelay $0xe  }
0x1d0: {  	s2 =	spop @!p0 (v2sf)  }
0x1d1: {  	s2 =	sand.u32 @!p0 $0xFFFFF80, s2  }
0x1d2: {  	s14 =	simm.s32 @!p0 $0x19500;
	s2 =	sadd.s32 @!p0 s1, s2  }
0x1d3: {  	[tilespmem:s14], [sflag:$0x7] =	stream.strided.gather @!p0 [hbm4b:s2+s4], $0x1000, s13, s4, $0x38;
	[tilespmem:$0x1C800] =	vst v63  }
0x1d4: {  	v11 =	vld @!p0 [tilespmem:s26+$0xFFFFFFFF];
	_ =	sdelay $0x4  }
0x1d5: {  	(v2sf) =	vpush @!p0 v11, $0x0;
	_ =	sdelay $0xe  }
0x1d6: {  	s2 =	spop @!p0 (v2sf)  }
0x1d7: {  	s2 =	sand.u32 @!p0 $0xFFFFF80, s2  }
0x1d8: {  	s14 =	simm.s32 @!p0 $0x1A500;
	s2 =	sadd.s32 @!p0 s1, s2  }
0x1d9: {  	[tilespmem:s14], [sflag:$0x7] =	stream.strided.gather @!p0 [hbm4b:s2+s4], $0x1000, s13, s4, $0x38;
	[tilespmem:$0x1C800] =	vst v63  }
0x1da: {  	v11 =	vld @!p0 [tilespmem:s26+$0x0];
	_ =	sdelay $0x4  }
0x1db: {  	(v2sf) =	vpush @!p0 v11, $0x0;
	_ =	sdelay $0xe  }
0x1dc: {  	s2 =	spop @!p0 (v2sf)  }
0x1dd: {  	s2 =	sand.u32 @!p0 $0xFFFFF80, s2  }
0x1de: {  	s31 =	sadd.s32 $0x1, s31;
	s14 =	simm.s32 @!p0 $0x1B500;
	s2 =	sadd.s32 @!p0 s1, s2  }
0x1df: {  	[tilespmem:s14], [sflag:$0x7] =	stream.strided.gather @!p0 [hbm4b:s2+s4], $0x1000, s13, s4, $0x38;
	[tilespmem:$0x1C800] =	vst v63  }
0x1e0: {  	p0 =	sne.s32 s31, $0x80  }
.Ltmp3:
0x1e1: {  	_ = 	snop;
	(pc) =	sbr.rel @!p0 .LBB2_8-.Ltmp3, $3  }
0x1e2: {  	_ =	sdelay $0x1  }
0x1e3: {  	s30 =	sadd.s32 $0x4, s30  }
0x1e4: {  	s29 =	sadd.s32 $0x4, s29;
	s28 =	sadd.s32 $0x4, s28;
	s26 =	sadd.s32 $0x4, s26  }
.LBB2_2:
0x1e5: {  	s4 =	sand.u32 $0x3, s31  }
0x1e6: {  	p0 =	sgt.s32 s4, $0x1  }
.Ltmp4:
0x1e7: {  	_ = 	snop;
	(pc) =	sbr.rel @!p0 .LBB2_3-.Ltmp4, $1  }
0x1e8: {  	_ =	sdelay $0x3  }
0x1e9: {  	p0 =	seq.s32 s4, $0x3  }
.Ltmp5:
0x1ea: {  	_ = 	snop;
	(pc) =	sbr.rel @!p0 .LBB2_5-.Ltmp5, $1  }
0x1eb: {  	_ =	sdelay $0x3  }
.Ltmp6:
0x1ec: {  	(pc) =	sbr.rel .LBB2_7-.Ltmp6, $3  }
0x1ed: {  	_ =	sdelay $0x1  }
0x1ee: {  	p4 =	por $0x0, $0x0  }
0x1ef: {  	p2 =	por $0x1, $0x1;
	s13 =	simm.s32 $0x4;
	p3 =	por $0x0, $0x0  }
.LBB2_5:
.Ltmp7:
0x1f0: {  	(pc) =	sbr.rel .LBB2_7-.Ltmp7, $3  }
0x1f1: {  	_ =	sdelay $0x1  }
0x1f2: {  	p3 =	por $0x1, $0x1  }
0x1f3: {  	p2 =	por $0x0, $0x0;
	s13 =	simm.s32 $0x3;
	p4 =	por $0x0, $0x0  }
.LBB2_9:
0x1f4: {  	_ =	sfence.sel $0x180000  }
0x1f5: {  	[bflag:$0x0] =	sbarrier.arrive $0xFFFF  }
0x1f6: {  	_ =	strace $0x90000047  }
0x1f7: {  	s0 =	stileid.u32;
	[bflag:$0x2] =	sbarrier.arrive $0xFFFF  }
0x1f8: {  	p0 =	sne.s32 s0, $0x0;
	s0 =	rddreg [dreg:$0x5]  }
0x1f9: {  	s0 =	sadd.s32 @!p0 $0x100000, s0  }
0x1fa: {  	[sflag:s0] =	ssyncadd.tile.s32 @!p0 $0x1;
	_ =	shalt  }
.Lfunc_end2:
_tile_overlayer_lowered:
.L_overlay_start_2:
0x1fb: {  	(tag) =	ssettag $0x2  }
0x1fc: {  	s0 =	rddreg [dreg:$0x0];
	s2 =	stileid.u32  }
0x1fd: {  	s1 =	rddreg [dreg:$0x1];
	p0 =	sne.s32 s2, $0x0  }
0x1fe: {  	s3 =	rddreg [dreg:$0x2];
	[bflag:$0x3] =	sbarrier.arrive $0xFFFF;
	s2 =	simm.s32 @!p0 $0x1C08  }
0x1ff: {  	[timem:s3], [sflag:s2] =	dma.local @!p0 [hbm:s0], s1  }
0x200: {  	s0 =	simm.s32 @!p0 $0x8  }
0x201: {  	_ =	swait.ge @!p0 [sflag:s0], s1  }
0x202: {  	s1 =	ssub.s32 @!p0 $0x0, s1;
	[sflag:s0] =	ssyncset.done @!p0 $0x0  }
0x203: {  	[sflag:s0] =	ssyncadd.s32 @!p0 s1  }
0x204: {  	[bflag:$0x3] =	sbarrier.arrive $0xFFFF  }
0x205: {  	_ =	shalt  }

</sc_bundles>
